<compile_context>
chip_gen: v7x
topology: tpu7x:2x2x1
jax: 0.10.2.dev20260603
libtpu: 0.0.44.dev20260713+nightly
codegen_flags: <defaults>
</compile_context>

<pallas_src>
import functools

import jax
import jax.numpy as jnp
from jax import lax
from jax.experimental import pallas as pl
from jax.experimental.pallas import tpu as pltpu
from jax.experimental.pallas import tpu_sc as plsc

NC = 2
NS = 16
NW = NC * NS
B = 128


def _deg_body(dst_hbm, ones_hbm, zeros_hbm, degp_hbm, idx_v, ones_v, sptab,
              *, ch, npad):
    c = lax.axis_index("c")
    s = lax.axis_index("s")
    wid = s * NC + c

    @pl.when(s == 0)
    def _zero():
        pltpu.sync_copy(zeros_hbm, sptab)

    pltpu.sync_copy(ones_hbm, ones_v)
    pltpu.sync_copy(dst_hbm.at[wid], idx_v)
    plsc.subcore_barrier()

    def step(j, carry):
        pltpu.sync_copy(ones_v, sptab.at[idx_v.at[j]], add=True)
        return carry

    lax.fori_loop(0, ch, step, 0)
    plsc.subcore_barrier()
    nt = npad // NS
    pltpu.sync_copy(sptab.at[pl.ds(s * nt, nt)],
                    degp_hbm.at[c].at[pl.ds(s * nt, nt)])


def _pass_body(src_hbm, dst_hbm, tab_hbm, zeros_hbm, part_hbm,
               sidx, didx, rows, sem, sptab, *, ch, npad):
    c = lax.axis_index("c")
    s = lax.axis_index("s")
    wid = s * NC + c

    @pl.when(s == 0)
    def _zero():
        pltpu.sync_copy(zeros_hbm, sptab)

    pltpu.sync_copy(src_hbm.at[wid], sidx)
    pltpu.sync_copy(dst_hbm.at[wid], didx)
    plsc.subcore_barrier()

    def step(j, carry):
        pltpu.async_copy(tab_hbm.at[sidx.at[j]], rows, sem).wait()
        pltpu.sync_copy(rows, sptab.at[didx.at[j]], add=True)
        return carry

    lax.fori_loop(0, ch, step, 0)
    plsc.subcore_barrier()
    nt = npad // NS
    pltpu.sync_copy(sptab.at[pl.ds(s * nt, nt)],
                    part_hbm.at[c].at[pl.ds(s * nt, nt)])


def _tc1_body(degp, xp, w1, dis16_o, g1_o):
    dis = lax.rsqrt(degp[0] + degp[1] + 1.0)
    dis16_o[...] = dis
    h = jnp.dot(xp[...], w1[...], preferred_element_type=jnp.float32)
    g1_o[...] = dis * h


def _tc2_body(part, g1, dis16, b1, r_o):
    tmp = part[0] + part[1] + g1[...]
    o = dis16[...] * tmp + b1[...]
    r_o[...] = dis16[...] * jnp.maximum(o, 0.0)


def _tc3_body(part, r, dis16, w2, b2, out_o):
    tmp = dis16[...] * (part[0] + part[1] + r[...])
    z = jnp.dot(tmp, w2[...], preferred_element_type=jnp.float32) + b2[...]
    out_o[...] = jax.nn.softmax(z, axis=-1)


def kernel(x, edge_index, W1, b1, W2, b2):
    n, d = x.shape
    e = edge_index.shape[1]
    h = W1.shape[1]
    cdim = W2.shape[1]
    npad = ((n + 1 + 127) // 128) * 128
    ch = -(-e // (NW * B))
    epad = NW * ch * B

    src = edge_index[0].astype(jnp.int32)
    dst = edge_index[1].astype(jnp.int32)
    pad = epad - e
    src = jnp.concatenate([src, jnp.zeros((pad,), jnp.int32)]).reshape(NW, ch, B)
    dst = jnp.concatenate([dst, jnp.full((pad,), n, jnp.int32)]).reshape(NW, ch, B)

    zeros16 = jnp.zeros((npad, h), jnp.float32)
    ones16 = jnp.ones((B, h), jnp.float32)
    xp = jnp.concatenate([x, jnp.zeros((npad - n, d), jnp.float32)])

    mesh = plsc.VectorSubcoreMesh(core_axis_name="c", subcore_axis_name="s",
                                  num_cores=NC, num_subcores=NS)
    sc_params = pltpu.CompilerParams(use_tc_tiling_on_sc=False)

    deg_call = pl.kernel(
        functools.partial(_deg_body, ch=ch, npad=npad),
        out_type=jax.ShapeDtypeStruct((NC, npad, h), jnp.float32),
        mesh=mesh,
        scratch_types=[
            pltpu.VMEM((ch, B), jnp.int32),
            pltpu.VMEM((B, h), jnp.float32),
            pltpu.VMEM_SHARED((npad, h), jnp.float32),
        ],
        compiler_params=sc_params,
    )
    degp = deg_call(dst, ones16, zeros16)

    pass_call = pl.kernel(
        functools.partial(_pass_body, ch=ch, npad=npad),
        out_type=jax.ShapeDtypeStruct((NC, npad, h), jnp.float32),
        mesh=mesh,
        scratch_types=[
            pltpu.VMEM((ch, B), jnp.int32),
            pltpu.VMEM((ch, B), jnp.int32),
            pltpu.VMEM((B, h), jnp.float32),
            pltpu.SemaphoreType.DMA,
            pltpu.VMEM_SHARED((npad, h), jnp.float32),
        ],
        compiler_params=sc_params,
    )

    dis16, g1 = pl.pallas_call(
        _tc1_body,
        out_shape=[jax.ShapeDtypeStruct((npad, h), jnp.float32)] * 2,
    )(degp, xp, W1)

    part1 = pass_call(src, dst, g1, zeros16)

    r = pl.pallas_call(
        _tc2_body,
        out_shape=jax.ShapeDtypeStruct((npad, h), jnp.float32),
    )(part1, g1, dis16, b1.reshape(1, h))

    part2 = pass_call(src, dst, r, zeros16)

    out = pl.pallas_call(
        _tc3_body,
        out_shape=jax.ShapeDtypeStruct((npad, cdim), jnp.float32),
    )(part2, r, dis16, W2, b2.reshape(1, cdim))

    return out[:n]

# --- scband reference (transcript-rebuilt; emitter-appended) ---
"""Pipeline reference for scband-gnn-81733227643007 (READ-ONLY COPY).

The authoritative reference and input builder live on the scoring server;
editing this copy changes nothing except your own understanding.
"""

import jax, jax.numpy as jnp
import numpy as np

N = 10000
E = 320000
D = 128
H = 16
C = 3


def setup_inputs(seed: int = 0) -> dict:
    key = jax.random.key(seed)
    k1, k2, k3, k4, k5, k6 = jax.random.split(key, 6)
    x = jax.random.normal(k1, (N, D), dtype=jnp.float32)
    edge_index = jax.random.randint(k2, (2, E), 0, N).astype(jnp.int64)
    # GCNConv learned parameters (glorot-ish init), weight laid out as [in, out]
    W1 = jax.random.normal(k3, (D, H), dtype=jnp.float32) * (1.0 / np.sqrt(D))
    b1 = jnp.zeros((H,), dtype=jnp.float32)
    W2 = jax.random.normal(k4, (H, C), dtype=jnp.float32) * (1.0 / np.sqrt(H))
    b2 = jnp.zeros((C,), dtype=jnp.float32)
    return {"x": x, "edge_index": edge_index, "W1": W1, "b1": b1, "W2": W2, "b2": b2}


def _gcn_conv(x, edge_index, W, b):
    # Faithful GCNConv: add self-loops, symmetric normalization, linear, scatter-add, bias
    n = x.shape[0]
    src = edge_index[0]
    dst = edge_index[1]
    loop = jnp.arange(n, dtype=src.dtype)
    src2 = jnp.concatenate([src, loop])
    dst2 = jnp.concatenate([dst, loop])
    ones = jnp.ones(src2.shape[0], dtype=x.dtype)
    deg = jax.ops.segment_sum(ones, dst2, num_segments=n)
    deg_inv_sqrt = jnp.where(deg > 0, jax.lax.rsqrt(jnp.maximum(deg, 1e-12)), 0.0)
    norm = deg_inv_sqrt[src2] * deg_inv_sqrt[dst2]
    h = x @ W
    msg = h[src2] * norm[:, None]
    out = jax.ops.segment_sum(msg, dst2, num_segments=n)
    return out + b


def reference(x, edge_index, W1, b1, W2, b2):
    h = _gcn_conv(x, edge_index, W1, b1)
    h = jax.nn.relu(h)
    out = _gcn_conv(h, edge_index, W2, b2)
    return jax.nn.softmax(out, axis=1)

if __name__ == "__main__":
    import jax
    _d = setup_inputs()
    print(jax.jit(kernel)(*tuple(_d.values())))

</pallas_src>

<mosaic_0001>
#map = affine_map<(d0, d1) -> (0, 0, 0)>
#map1 = affine_map<(d0, d1) -> (0, 0)>
module attributes {stable_mosaic.version = 14 : i64} {
  func.func @_deg_body(%arg0: i32, %arg1: i32, %arg2: memref<32x79x128xi32, #tpu.memory_space<hbm>>, %arg3: memref<128x16xf32, #tpu.memory_space<hbm>>, %arg4: memref<10112x16xf32, #tpu.memory_space<hbm>>, %arg5: memref<2x10112x16xf32, #tpu.memory_space<hbm>>, %arg6: memref<79x128xi32, #tpu.memory_space<vmem>>, %arg7: memref<128x16xf32, #tpu.memory_space<vmem>>, %arg8: memref<10112x16xf32, #tpu.memory_space<vmem_shared>>) attributes {dimension_semantics = [#tpu.dimension_semantics<core_parallel>, #tpu.dimension_semantics<subcore_parallel>], iteration_bounds = array<i64: 2, 16>, scalar_prefetch = 0 : i64, scratch_operands = 3 : i64, tpu.core_type = #tpu.core_type<sc_vector_subcore>, window_params = [{transform_indices = #map}, {transform_indices = #map1}, {transform_indices = #map1}, {transform_indices = #map}]} {
    %mul3A = arith.constant 2 : i32
    %mul3A_0 = arith.muli %arg1, %mul3A : i32
    %add3A = arith.addi %mul3A_0, %arg0 : i32
    %eq3A = arith.constant 0 : i32
    %eq3A_1 = arith.cmpi eq, %arg1, %eq3A : i32
    %convert_element_type3A = arith.extui %eq3A_1 : i1 to i32
    %cond3A = arith.constant 0 : i32
    %cond3A_2 = arith.cmpi ne, %convert_element_type3A, %cond3A : i32
    scf.if %cond3A_2 {
      "tpu.region"() ({
        %run_scoped3A = tpu.sem_alloc : memref<!tpu.dma_semaphore, #tpu.memory_space<semaphore_mem>>
        tpu.enqueue_dma source(%arg4 : memref<10112x16xf32, #tpu.memory_space<hbm>>) target(%arg8 : memref<10112x16xf32, #tpu.memory_space<vmem_shared>>) target_semaphore(%run_scoped3A : memref<!tpu.dma_semaphore, #tpu.memory_space<semaphore_mem>>)
        tpu.wait_dma2 semaphore(%run_scoped3A : memref<!tpu.dma_semaphore, #tpu.memory_space<semaphore_mem>>) src(%arg4 : memref<10112x16xf32, #tpu.memory_space<hbm>>) dst(%arg8 : memref<10112x16xf32, #tpu.memory_space<vmem_shared>>)
        tpu.yield
      }) : () -> ()
    } else {
    }
    "tpu.region"() ({
      %run_scoped3A = tpu.sem_alloc : memref<!tpu.dma_semaphore, #tpu.memory_space<semaphore_mem>>
      tpu.enqueue_dma source(%arg3 : memref<128x16xf32, #tpu.memory_space<hbm>>) target(%arg7 : memref<128x16xf32, #tpu.memory_space<vmem>>) target_semaphore(%run_scoped3A : memref<!tpu.dma_semaphore, #tpu.memory_space<semaphore_mem>>)
      tpu.wait_dma2 semaphore(%run_scoped3A : memref<!tpu.dma_semaphore, #tpu.memory_space<semaphore_mem>>) src(%arg3 : memref<128x16xf32, #tpu.memory_space<hbm>>) dst(%arg7 : memref<128x16xf32, #tpu.memory_space<vmem>>)
      tpu.yield
    }) : () -> ()
    "tpu.region"() ({
      %run_scoped3A = tpu.sem_alloc : memref<!tpu.dma_semaphore, #tpu.memory_space<semaphore_mem>>
      %dma_start3A = arith.constant 0 : i32
      %dma_start3A_13 = arith.constant 0 : i32
      %dma_start3A_14 = tpu.memref_slice %arg2[%add3A, %dma_start3A, %dma_start3A_13] : memref<32x79x128xi32, #tpu.memory_space<hbm>> -> memref<1x79x128xi32, #tpu.memory_space<hbm>>
      %dma_start3A_15 = tpu.memref_squeeze %dma_start3A_14 : memref<1x79x128xi32, #tpu.memory_space<hbm>> -> memref<79x128xi32, #tpu.memory_space<hbm>>
      %dma_start3A_16 = arith.constant 0 : i32
      %dma_start3A_17 = arith.constant 0 : i32
      %dma_start3A_18 = tpu.memref_slice %arg2[%add3A, %dma_start3A_16, %dma_start3A_17] : memref<32x79x128xi32, #tpu.memory_space<hbm>> -> memref<1x79x128xi32, #tpu.memory_space<hbm>>
      %dma_start3A_19 = tpu.memref_squeeze %dma_start3A_18 : memref<1x79x128xi32, #tpu.memory_space<hbm>> -> memref<79x128xi32, #tpu.memory_space<hbm>>
      tpu.enqueue_dma source(%dma_start3A_19 : memref<79x128xi32, #tpu.memory_space<hbm>>) target(%arg6 : memref<79x128xi32, #tpu.memory_space<vmem>>) target_semaphore(%run_scoped3A : memref<!tpu.dma_semaphore, #tpu.memory_space<semaphore_mem>>)
      %dma_wait3A = arith.constant 0 : i32
      %dma_wait3A_20 = arith.constant 0 : i32
      %dma_wait3A_21 = tpu.memref_slice %arg2[%add3A, %dma_wait3A, %dma_wait3A_20] : memref<32x79x128xi32, #tpu.memory_space<hbm>> -> memref<1x79x128xi32, #tpu.memory_space<hbm>>
      %dma_wait3A_22 = tpu.memref_squeeze %dma_wait3A_21 : memref<1x79x128xi32, #tpu.memory_space<hbm>> -> memref<79x128xi32, #tpu.memory_space<hbm>>
      %dma_wait3A_23 = arith.constant 0 : i32
      %dma_wait3A_24 = arith.constant 0 : i32
      %dma_wait3A_25 = tpu.memref_slice %arg2[%add3A, %dma_wait3A_23, %dma_wait3A_24] : memref<32x79x128xi32, #tpu.memory_space<hbm>> -> memref<1x79x128xi32, #tpu.memory_space<hbm>>
      %dma_wait3A_26 = tpu.memref_squeeze %dma_wait3A_25 : memref<1x79x128xi32, #tpu.memory_space<hbm>> -> memref<79x128xi32, #tpu.memory_space<hbm>>
      tpu.wait_dma2 semaphore(%run_scoped3A : memref<!tpu.dma_semaphore, #tpu.memory_space<semaphore_mem>>) src(%dma_wait3A_26 : memref<79x128xi32, #tpu.memory_space<hbm>>) dst(%arg6 : memref<79x128xi32, #tpu.memory_space<vmem>>)
      tpu.yield
    }) : () -> ()
    %barrier3A = arith.constant 0 : index
    tpu.barrier barrier_id(%barrier3A)
    %scan3A = arith.constant 0 : i32
    %scan3A_3 = arith.constant 0 : i32
    %scan3A_4 = arith.constant 79 : i32
    %scan3A_5 = arith.addi %scan3A_3, %scan3A_4 : i32
    %scan3A_6 = arith.constant 1 : i32
    scf.for %scan3A_13 = %scan3A_3 to %scan3A_5 step %scan3A_6  : i32 {
      "tpu.region"() ({
        %run_scoped3A = tpu.sem_alloc : memref<!tpu.dma_semaphore, #tpu.memory_space<semaphore_mem>>
        %dma_start3A = arith.constant 0 : i32
        %dma_start3A_14 = tpu.memref_slice %arg6[%scan3A_13, %dma_start3A] : memref<79x128xi32, #tpu.memory_space<vmem>> -> memref<1x128xi32, #tpu.memory_space<vmem>>
        %dma_start3A_15 = tpu.memref_squeeze %dma_start3A_14 : memref<1x128xi32, #tpu.memory_space<vmem>> -> memref<128xi32, #tpu.memory_space<vmem>>
        %dma_start3A_16 = arith.constant 0 : i32
        %dma_start3A_17 = arith.constant 0 : i32
        %dma_start3A_18 = tpu.memref_slice %arg8[%dma_start3A_16, %dma_start3A_17] : memref<10112x16xf32, #tpu.memory_space<vmem_shared>> -> memref<10112x16xf32, #tpu.memory_space<vmem_shared>>
        tpu.enqueue_indirect_dma source(%arg7 : memref<128x16xf32, #tpu.memory_space<vmem>>) target(%dma_start3A_18 : memref<10112x16xf32, #tpu.memory_space<vmem_shared>>) offsets(%dma_start3A_15 : memref<128xi32, #tpu.memory_space<vmem>>) semaphore(%run_scoped3A : memref<!tpu.dma_semaphore, #tpu.memory_space<semaphore_mem>>) {add = true}
        %dma_wait3A = arith.constant 0 : i32
        %dma_wait3A_19 = tpu.memref_slice %arg6[%scan3A_13, %dma_wait3A] : memref<79x128xi32, #tpu.memory_space<vmem>> -> memref<1x128xi32, #tpu.memory_space<vmem>>
        %dma_wait3A_20 = tpu.memref_squeeze %dma_wait3A_19 : memref<1x128xi32, #tpu.memory_space<vmem>> -> memref<128xi32, #tpu.memory_space<vmem>>
        %dma_wait3A_21 = arith.constant 0 : i32
        %dma_wait3A_22 = arith.constant 0 : i32
        %dma_wait3A_23 = tpu.memref_slice %arg8[%dma_wait3A_21, %dma_wait3A_22] : memref<10112x16xf32, #tpu.memory_space<vmem_shared>> -> memref<10112x16xf32, #tpu.memory_space<vmem_shared>>
        tpu.wait_indirect_dma semaphore(%run_scoped3A : memref<!tpu.dma_semaphore, #tpu.memory_space<semaphore_mem>>) src(%arg7 : memref<128x16xf32, #tpu.memory_space<vmem>>) dst(%dma_wait3A_23 : memref<10112x16xf32, #tpu.memory_space<vmem_shared>>)
        tpu.yield
      }) : () -> ()
    }
    %scan3A_7 = arith.constant 79 : i32
    %barrier3A_8 = arith.constant 0 : index
    tpu.barrier barrier_id(%barrier3A_8)
    %mul3A_9 = arith.constant 632 : i32
    %mul3A_10 = arith.muli %arg1, %mul3A_9 : i32
    %mul3A_11 = arith.constant 632 : i32
    %mul3A_12 = arith.muli %arg1, %mul3A_11 : i32
    "tpu.region"() ({
      %run_scoped3A = tpu.sem_alloc : memref<!tpu.dma_semaphore, #tpu.memory_space<semaphore_mem>>
      %dma_start3A = arith.constant 0 : i32
      %dma_start3A_13 = arith.constant 0 : i32
      %dma_start3A_14 = tpu.memref_slice %arg5[%arg0, %dma_start3A, %dma_start3A_13] : memref<2x10112x16xf32, #tpu.memory_space<hbm>> -> memref<1x10112x16xf32, #tpu.memory_space<hbm>>
      %dma_start3A_15 = tpu.memref_squeeze %dma_start3A_14 : memref<1x10112x16xf32, #tpu.memory_space<hbm>> -> memref<10112x16xf32, #tpu.memory_space<hbm>>
      %dma_start3A_16 = arith.constant 0 : i32
      %dma_start3A_17 = tpu.memref_slice %dma_start3A_15[%mul3A_12, %dma_start3A_16] : memref<10112x16xf32, #tpu.memory_space<hbm>> -> memref<632x16xf32, #tpu.memory_space<hbm>>
      %dma_start3A_18 = arith.constant 0 : i32
      %dma_start3A_19 = tpu.memref_slice %arg8[%mul3A_10, %dma_start3A_18] : memref<10112x16xf32, #tpu.memory_space<vmem_shared>> -> memref<632x16xf32, #tpu.memory_space<vmem_shared>>
      tpu.enqueue_dma source(%dma_start3A_19 : memref<632x16xf32, #tpu.memory_space<vmem_shared>>) target(%dma_start3A_17 : memref<632x16xf32, #tpu.memory_space<hbm>>) target_semaphore(%run_scoped3A : memref<!tpu.dma_semaphore, #tpu.memory_space<semaphore_mem>>)
      %dma_wait3A = arith.constant 0 : i32
      %dma_wait3A_20 = arith.constant 0 : i32
      %dma_wait3A_21 = tpu.memref_slice %arg5[%arg0, %dma_wait3A, %dma_wait3A_20] : memref<2x10112x16xf32, #tpu.memory_space<hbm>> -> memref<1x10112x16xf32, #tpu.memory_space<hbm>>
      %dma_wait3A_22 = tpu.memref_squeeze %dma_wait3A_21 : memref<1x10112x16xf32, #tpu.memory_space<hbm>> -> memref<10112x16xf32, #tpu.memory_space<hbm>>
      %dma_wait3A_23 = arith.constant 0 : i32
      %dma_wait3A_24 = tpu.memref_slice %dma_wait3A_22[%mul3A_12, %dma_wait3A_23] : memref<10112x16xf32, #tpu.memory_space<hbm>> -> memref<632x16xf32, #tpu.memory_space<hbm>>
      %dma_wait3A_25 = arith.constant 0 : i32
      %dma_wait3A_26 = tpu.memref_slice %arg8[%mul3A_10, %dma_wait3A_25] : memref<10112x16xf32, #tpu.memory_space<vmem_shared>> -> memref<632x16xf32, #tpu.memory_space<vmem_shared>>
      tpu.wait_dma2 semaphore(%run_scoped3A : memref<!tpu.dma_semaphore, #tpu.memory_space<semaphore_mem>>) src(%dma_wait3A_26 : memref<632x16xf32, #tpu.memory_space<vmem_shared>>) dst(%dma_wait3A_24 : memref<632x16xf32, #tpu.memory_space<hbm>>)
      tpu.yield
    }) : () -> ()
    return
  }
}

#map = affine_map<(d0, d1) -> (0, 0, 0)>
#map1 = affine_map<(d0, d1) -> (0, 0)>
module attributes {stable_mosaic.version = 14 : i64} {
  func.func @_pass_body(%arg0: i32, %arg1: i32, %arg2: memref<32x79x128xi32, #tpu.memory_space<hbm>>, %arg3: memref<32x79x128xi32, #tpu.memory_space<hbm>>, %arg4: memref<10112x16xf32, #tpu.memory_space<hbm>>, %arg5: memref<10112x16xf32, #tpu.memory_space<hbm>>, %arg6: memref<2x10112x16xf32, #tpu.memory_space<hbm>>, %arg7: memref<79x128xi32, #tpu.memory_space<vmem>>, %arg8: memref<79x128xi32, #tpu.memory_space<vmem>>, %arg9: memref<128x16xf32, #tpu.memory_space<vmem>>, %arg10: memref<!tpu.dma_semaphore, #tpu.memory_space<semaphore_mem>>, %arg11: memref<10112x16xf32, #tpu.memory_space<vmem_shared>>) attributes {dimension_semantics = [#tpu.dimension_semantics<core_parallel>, #tpu.dimension_semantics<subcore_parallel>], iteration_bounds = array<i64: 2, 16>, scalar_prefetch = 0 : i64, scratch_operands = 5 : i64, tpu.core_type = #tpu.core_type<sc_vector_subcore>, window_params = [{transform_indices = #map}, {transform_indices = #map}, {transform_indices = #map1}, {transform_indices = #map1}, {transform_indices = #map}]} {
    %mul3A = arith.constant 2 : i32
    %mul3A_0 = arith.muli %arg1, %mul3A : i32
    %add3A = arith.addi %mul3A_0, %arg0 : i32
    %eq3A = arith.constant 0 : i32
    %eq3A_1 = arith.cmpi eq, %arg1, %eq3A : i32
    %convert_element_type3A = arith.extui %eq3A_1 : i1 to i32
    %cond3A = arith.constant 0 : i32
    %cond3A_2 = arith.cmpi ne, %convert_element_type3A, %cond3A : i32
    scf.if %cond3A_2 {
      "tpu.region"() ({
        %run_scoped3A = tpu.sem_alloc : memref<!tpu.dma_semaphore, #tpu.memory_space<semaphore_mem>>
        tpu.enqueue_dma source(%arg5 : memref<10112x16xf32, #tpu.memory_space<hbm>>) target(%arg11 : memref<10112x16xf32, #tpu.memory_space<vmem_shared>>) target_semaphore(%run_scoped3A : memref<!tpu.dma_semaphore, #tpu.memory_space<semaphore_mem>>)
        tpu.wait_dma2 semaphore(%run_scoped3A : memref<!tpu.dma_semaphore, #tpu.memory_space<semaphore_mem>>) src(%arg5 : memref<10112x16xf32, #tpu.memory_space<hbm>>) dst(%arg11 : memref<10112x16xf32, #tpu.memory_space<vmem_shared>>)
        tpu.yield
      }) : () -> ()
    } else {
    }
    "tpu.region"() ({
      %run_scoped3A = tpu.sem_alloc : memref<!tpu.dma_semaphore, #tpu.memory_space<semaphore_mem>>
      %dma_start3A = arith.constant 0 : i32
      %dma_start3A_13 = arith.constant 0 : i32
      %dma_start3A_14 = tpu.memref_slice %arg2[%add3A, %dma_start3A, %dma_start3A_13] : memref<32x79x128xi32, #tpu.memory_space<hbm>> -> memref<1x79x128xi32, #tpu.memory_space<hbm>>
      %dma_start3A_15 = tpu.memref_squeeze %dma_start3A_14 : memref<1x79x128xi32, #tpu.memory_space<hbm>> -> memref<79x128xi32, #tpu.memory_space<hbm>>
      %dma_start3A_16 = arith.constant 0 : i32
      %dma_start3A_17 = arith.constant 0 : i32
      %dma_start3A_18 = tpu.memref_slice %arg2[%add3A, %dma_start3A_16, %dma_start3A_17] : memref<32x79x128xi32, #tpu.memory_space<hbm>> -> memref<1x79x128xi32, #tpu.memory_space<hbm>>
      %dma_start3A_19 = tpu.memref_squeeze %dma_start3A_18 : memref<1x79x128xi32, #tpu.memory_space<hbm>> -> memref<79x128xi32, #tpu.memory_space<hbm>>
      tpu.enqueue_dma source(%dma_start3A_19 : memref<79x128xi32, #tpu.memory_space<hbm>>) target(%arg7 : memref<79x128xi32, #tpu.memory_space<vmem>>) target_semaphore(%run_scoped3A : memref<!tpu.dma_semaphore, #tpu.memory_space<semaphore_mem>>)
      %dma_wait3A = arith.constant 0 : i32
      %dma_wait3A_20 = arith.constant 0 : i32
      %dma_wait3A_21 = tpu.memref_slice %arg2[%add3A, %dma_wait3A, %dma_wait3A_20] : memref<32x79x128xi32, #tpu.memory_space<hbm>> -> memref<1x79x128xi32, #tpu.memory_space<hbm>>
      %dma_wait3A_22 = tpu.memref_squeeze %dma_wait3A_21 : memref<1x79x128xi32, #tpu.memory_space<hbm>> -> memref<79x128xi32, #tpu.memory_space<hbm>>
      %dma_wait3A_23 = arith.constant 0 : i32
      %dma_wait3A_24 = arith.constant 0 : i32
      %dma_wait3A_25 = tpu.memref_slice %arg2[%add3A, %dma_wait3A_23, %dma_wait3A_24] : memref<32x79x128xi32, #tpu.memory_space<hbm>> -> memref<1x79x128xi32, #tpu.memory_space<hbm>>
      %dma_wait3A_26 = tpu.memref_squeeze %dma_wait3A_25 : memref<1x79x128xi32, #tpu.memory_space<hbm>> -> memref<79x128xi32, #tpu.memory_space<hbm>>
      tpu.wait_dma2 semaphore(%run_scoped3A : memref<!tpu.dma_semaphore, #tpu.memory_space<semaphore_mem>>) src(%dma_wait3A_26 : memref<79x128xi32, #tpu.memory_space<hbm>>) dst(%arg7 : memref<79x128xi32, #tpu.memory_space<vmem>>)
      tpu.yield
    }) : () -> ()
    "tpu.region"() ({
      %run_scoped3A = tpu.sem_alloc : memref<!tpu.dma_semaphore, #tpu.memory_space<semaphore_mem>>
      %dma_start3A = arith.constant 0 : i32
      %dma_start3A_13 = arith.constant 0 : i32
      %dma_start3A_14 = tpu.memref_slice %arg3[%add3A, %dma_start3A, %dma_start3A_13] : memref<32x79x128xi32, #tpu.memory_space<hbm>> -> memref<1x79x128xi32, #tpu.memory_space<hbm>>
      %dma_start3A_15 = tpu.memref_squeeze %dma_start3A_14 : memref<1x79x128xi32, #tpu.memory_space<hbm>> -> memref<79x128xi32, #tpu.memory_space<hbm>>
      %dma_start3A_16 = arith.constant 0 : i32
      %dma_start3A_17 = arith.constant 0 : i32
      %dma_start3A_18 = tpu.memref_slice %arg3[%add3A, %dma_start3A_16, %dma_start3A_17] : memref<32x79x128xi32, #tpu.memory_space<hbm>> -> memref<1x79x128xi32, #tpu.memory_space<hbm>>
      %dma_start3A_19 = tpu.memref_squeeze %dma_start3A_18 : memref<1x79x128xi32, #tpu.memory_space<hbm>> -> memref<79x128xi32, #tpu.memory_space<hbm>>
      tpu.enqueue_dma source(%dma_start3A_19 : memref<79x128xi32, #tpu.memory_space<hbm>>) target(%arg8 : memref<79x128xi32, #tpu.memory_space<vmem>>) target_semaphore(%run_scoped3A : memref<!tpu.dma_semaphore, #tpu.memory_space<semaphore_mem>>)
      %dma_wait3A = arith.constant 0 : i32
      %dma_wait3A_20 = arith.constant 0 : i32
      %dma_wait3A_21 = tpu.memref_slice %arg3[%add3A, %dma_wait3A, %dma_wait3A_20] : memref<32x79x128xi32, #tpu.memory_space<hbm>> -> memref<1x79x128xi32, #tpu.memory_space<hbm>>
      %dma_wait3A_22 = tpu.memref_squeeze %dma_wait3A_21 : memref<1x79x128xi32, #tpu.memory_space<hbm>> -> memref<79x128xi32, #tpu.memory_space<hbm>>
      %dma_wait3A_23 = arith.constant 0 : i32
      %dma_wait3A_24 = arith.constant 0 : i32
      %dma_wait3A_25 = tpu.memref_slice %arg3[%add3A, %dma_wait3A_23, %dma_wait3A_24] : memref<32x79x128xi32, #tpu.memory_space<hbm>> -> memref<1x79x128xi32, #tpu.memory_space<hbm>>
      %dma_wait3A_26 = tpu.memref_squeeze %dma_wait3A_25 : memref<1x79x128xi32, #tpu.memory_space<hbm>> -> memref<79x128xi32, #tpu.memory_space<hbm>>
      tpu.wait_dma2 semaphore(%run_scoped3A : memref<!tpu.dma_semaphore, #tpu.memory_space<semaphore_mem>>) src(%dma_wait3A_26 : memref<79x128xi32, #tpu.memory_space<hbm>>) dst(%arg8 : memref<79x128xi32, #tpu.memory_space<vmem>>)
      tpu.yield
    }) : () -> ()
    %barrier3A = arith.constant 0 : index
    tpu.barrier barrier_id(%barrier3A)
    %scan3A = arith.constant 0 : i32
    %scan3A_3 = arith.constant 0 : i32
    %scan3A_4 = arith.constant 79 : i32
    %scan3A_5 = arith.addi %scan3A_3, %scan3A_4 : i32
    %scan3A_6 = arith.constant 1 : i32
    scf.for %scan3A_13 = %scan3A_3 to %scan3A_5 step %scan3A_6  : i32 {
      %dma_start3A = arith.constant 0 : i32
      %dma_start3A_14 = tpu.memref_slice %arg7[%scan3A_13, %dma_start3A] : memref<79x128xi32, #tpu.memory_space<vmem>> -> memref<1x128xi32, #tpu.memory_space<vmem>>
      %dma_start3A_15 = tpu.memref_squeeze %dma_start3A_14 : memref<1x128xi32, #tpu.memory_space<vmem>> -> memref<128xi32, #tpu.memory_space<vmem>>
      %dma_start3A_16 = arith.constant 0 : i32
      %dma_start3A_17 = arith.constant 0 : i32
      %dma_start3A_18 = tpu.memref_slice %arg4[%dma_start3A_16, %dma_start3A_17] : memref<10112x16xf32, #tpu.memory_space<hbm>> -> memref<10112x16xf32, #tpu.memory_space<hbm>>
      tpu.enqueue_indirect_dma source(%dma_start3A_18 : memref<10112x16xf32, #tpu.memory_space<hbm>>) target(%arg9 : memref<128x16xf32, #tpu.memory_space<vmem>>) offsets(%dma_start3A_15 : memref<128xi32, #tpu.memory_space<vmem>>) semaphore(%arg10 : memref<!tpu.dma_semaphore, #tpu.memory_space<semaphore_mem>>)
      %dma_wait3A = arith.constant 0 : i32
      %dma_wait3A_19 = tpu.memref_slice %arg7[%scan3A_13, %dma_wait3A] : memref<79x128xi32, #tpu.memory_space<vmem>> -> memref<1x128xi32, #tpu.memory_space<vmem>>
      %dma_wait3A_20 = tpu.memref_squeeze %dma_wait3A_19 : memref<1x128xi32, #tpu.memory_space<vmem>> -> memref<128xi32, #tpu.memory_space<vmem>>
      %dma_wait3A_21 = arith.constant 0 : i32
      %dma_wait3A_22 = arith.constant 0 : i32
      %dma_wait3A_23 = tpu.memref_slice %arg4[%dma_wait3A_21, %dma_wait3A_22] : memref<10112x16xf32, #tpu.memory_space<hbm>> -> memref<10112x16xf32, #tpu.memory_space<hbm>>
      tpu.wait_indirect_dma semaphore(%arg10 : memref<!tpu.dma_semaphore, #tpu.memory_space<semaphore_mem>>) src(%dma_wait3A_23 : memref<10112x16xf32, #tpu.memory_space<hbm>>) dst(%arg9 : memref<128x16xf32, #tpu.memory_space<vmem>>)
      "tpu.region"() ({
        %run_scoped3A = tpu.sem_alloc : memref<!tpu.dma_semaphore, #tpu.memory_space<semaphore_mem>>
        %dma_start3A_24 = arith.constant 0 : i32
        %dma_start3A_25 = tpu.memref_slice %arg8[%scan3A_13, %dma_start3A_24] : memref<79x128xi32, #tpu.memory_space<vmem>> -> memref<1x128xi32, #tpu.memory_space<vmem>>
        %dma_start3A_26 = tpu.memref_squeeze %dma_start3A_25 : memref<1x128xi32, #tpu.memory_space<vmem>> -> memref<128xi32, #tpu.memory_space<vmem>>
        %dma_start3A_27 = arith.constant 0 : i32
        %dma_start3A_28 = arith.constant 0 : i32
        %dma_start3A_29 = tpu.memref_slice %arg11[%dma_start3A_27, %dma_start3A_28] : memref<10112x16xf32, #tpu.memory_space<vmem_shared>> -> memref<10112x16xf32, #tpu.memory_space<vmem_shared>>
        tpu.enqueue_indirect_dma source(%arg9 : memref<128x16xf32, #tpu.memory_space<vmem>>) target(%dma_start3A_29 : memref<10112x16xf32, #tpu.memory_space<vmem_shared>>) offsets(%dma_start3A_26 : memref<128xi32, #tpu.memory_space<vmem>>) semaphore(%run_scoped3A : memref<!tpu.dma_semaphore, #tpu.memory_space<semaphore_mem>>) {add = true}
        %dma_wait3A_30 = arith.constant 0 : i32
        %dma_wait3A_31 = tpu.memref_slice %arg8[%scan3A_13, %dma_wait3A_30] : memref<79x128xi32, #tpu.memory_space<vmem>> -> memref<1x128xi32, #tpu.memory_space<vmem>>
        %dma_wait3A_32 = tpu.memref_squeeze %dma_wait3A_31 : memref<1x128xi32, #tpu.memory_space<vmem>> -> memref<128xi32, #tpu.memory_space<vmem>>
        %dma_wait3A_33 = arith.constant 0 : i32
        %dma_wait3A_34 = arith.constant 0 : i32
        %dma_wait3A_35 = tpu.memref_slice %arg11[%dma_wait3A_33, %dma_wait3A_34] : memref<10112x16xf32, #tpu.memory_space<vmem_shared>> -> memref<10112x16xf32, #tpu.memory_space<vmem_shared>>
        tpu.wait_indirect_dma semaphore(%run_scoped3A : memref<!tpu.dma_semaphore, #tpu.memory_space<semaphore_mem>>) src(%arg9 : memref<128x16xf32, #tpu.memory_space<vmem>>) dst(%dma_wait3A_35 : memref<10112x16xf32, #tpu.memory_space<vmem_shared>>)
        tpu.yield
      }) : () -> ()
    }
    %scan3A_7 = arith.constant 79 : i32
    %barrier3A_8 = arith.constant 0 : index
    tpu.barrier barrier_id(%barrier3A_8)
    %mul3A_9 = arith.constant 632 : i32
    %mul3A_10 = arith.muli %arg1, %mul3A_9 : i32
    %mul3A_11 = arith.constant 632 : i32
    %mul3A_12 = arith.muli %arg1, %mul3A_11 : i32
    "tpu.region"() ({
      %run_scoped3A = tpu.sem_alloc : memref<!tpu.dma_semaphore, #tpu.memory_space<semaphore_mem>>
      %dma_start3A = arith.constant 0 : i32
      %dma_start3A_13 = arith.constant 0 : i32
      %dma_start3A_14 = tpu.memref_slice %arg6[%arg0, %dma_start3A, %dma_start3A_13] : memref<2x10112x16xf32, #tpu.memory_space<hbm>> -> memref<1x10112x16xf32, #tpu.memory_space<hbm>>
      %dma_start3A_15 = tpu.memref_squeeze %dma_start3A_14 : memref<1x10112x16xf32, #tpu.memory_space<hbm>> -> memref<10112x16xf32, #tpu.memory_space<hbm>>
      %dma_start3A_16 = arith.constant 0 : i32
      %dma_start3A_17 = tpu.memref_slice %dma_start3A_15[%mul3A_12, %dma_start3A_16] : memref<10112x16xf32, #tpu.memory_space<hbm>> -> memref<632x16xf32, #tpu.memory_space<hbm>>
      %dma_start3A_18 = arith.constant 0 : i32
      %dma_start3A_19 = tpu.memref_slice %arg11[%mul3A_10, %dma_start3A_18] : memref<10112x16xf32, #tpu.memory_space<vmem_shared>> -> memref<632x16xf32, #tpu.memory_space<vmem_shared>>
      tpu.enqueue_dma source(%dma_start3A_19 : memref<632x16xf32, #tpu.memory_space<vmem_shared>>) target(%dma_start3A_17 : memref<632x16xf32, #tpu.memory_space<hbm>>) target_semaphore(%run_scoped3A : memref<!tpu.dma_semaphore, #tpu.memory_space<semaphore_mem>>)
      %dma_wait3A = arith.constant 0 : i32
      %dma_wait3A_20 = arith.constant 0 : i32
      %dma_wait3A_21 = tpu.memref_slice %arg6[%arg0, %dma_wait3A, %dma_wait3A_20] : memref<2x10112x16xf32, #tpu.memory_space<hbm>> -> memref<1x10112x16xf32, #tpu.memory_space<hbm>>
      %dma_wait3A_22 = tpu.memref_squeeze %dma_wait3A_21 : memref<1x10112x16xf32, #tpu.memory_space<hbm>> -> memref<10112x16xf32, #tpu.memory_space<hbm>>
      %dma_wait3A_23 = arith.constant 0 : i32
      %dma_wait3A_24 = tpu.memref_slice %dma_wait3A_22[%mul3A_12, %dma_wait3A_23] : memref<10112x16xf32, #tpu.memory_space<hbm>> -> memref<632x16xf32, #tpu.memory_space<hbm>>
      %dma_wait3A_25 = arith.constant 0 : i32
      %dma_wait3A_26 = tpu.memref_slice %arg11[%mul3A_10, %dma_wait3A_25] : memref<10112x16xf32, #tpu.memory_space<vmem_shared>> -> memref<632x16xf32, #tpu.memory_space<vmem_shared>>
      tpu.wait_dma2 semaphore(%run_scoped3A : memref<!tpu.dma_semaphore, #tpu.memory_space<semaphore_mem>>) src(%dma_wait3A_26 : memref<632x16xf32, #tpu.memory_space<vmem_shared>>) dst(%dma_wait3A_24 : memref<632x16xf32, #tpu.memory_space<hbm>>)
      tpu.yield
    }) : () -> ()
    return
  }
}

#map = affine_map<(d0, d1) -> (0, 0, 0)>
#map1 = affine_map<(d0, d1) -> (0, 0)>
module attributes {stable_mosaic.version = 14 : i64} {
  func.func @_pass_body(%arg0: i32, %arg1: i32, %arg2: memref<32x79x128xi32, #tpu.memory_space<hbm>>, %arg3: memref<32x79x128xi32, #tpu.memory_space<hbm>>, %arg4: memref<10112x16xf32, #tpu.memory_space<hbm>>, %arg5: memref<10112x16xf32, #tpu.memory_space<hbm>>, %arg6: memref<2x10112x16xf32, #tpu.memory_space<hbm>>, %arg7: memref<79x128xi32, #tpu.memory_space<vmem>>, %arg8: memref<79x128xi32, #tpu.memory_space<vmem>>, %arg9: memref<128x16xf32, #tpu.memory_space<vmem>>, %arg10: memref<!tpu.dma_semaphore, #tpu.memory_space<semaphore_mem>>, %arg11: memref<10112x16xf32, #tpu.memory_space<vmem_shared>>) attributes {dimension_semantics = [#tpu.dimension_semantics<core_parallel>, #tpu.dimension_semantics<subcore_parallel>], iteration_bounds = array<i64: 2, 16>, scalar_prefetch = 0 : i64, scratch_operands = 5 : i64, tpu.core_type = #tpu.core_type<sc_vector_subcore>, window_params = [{transform_indices = #map}, {transform_indices = #map}, {transform_indices = #map1}, {transform_indices = #map1}, {transform_indices = #map}]} {
    %mul3A = arith.constant 2 : i32
    %mul3A_0 = arith.muli %arg1, %mul3A : i32
    %add3A = arith.addi %mul3A_0, %arg0 : i32
    %eq3A = arith.constant 0 : i32
    %eq3A_1 = arith.cmpi eq, %arg1, %eq3A : i32
    %convert_element_type3A = arith.extui %eq3A_1 : i1 to i32
    %cond3A = arith.constant 0 : i32
    %cond3A_2 = arith.cmpi ne, %convert_element_type3A, %cond3A : i32
    scf.if %cond3A_2 {
      "tpu.region"() ({
        %run_scoped3A = tpu.sem_alloc : memref<!tpu.dma_semaphore, #tpu.memory_space<semaphore_mem>>
        tpu.enqueue_dma source(%arg5 : memref<10112x16xf32, #tpu.memory_space<hbm>>) target(%arg11 : memref<10112x16xf32, #tpu.memory_space<vmem_shared>>) target_semaphore(%run_scoped3A : memref<!tpu.dma_semaphore, #tpu.memory_space<semaphore_mem>>)
        tpu.wait_dma2 semaphore(%run_scoped3A : memref<!tpu.dma_semaphore, #tpu.memory_space<semaphore_mem>>) src(%arg5 : memref<10112x16xf32, #tpu.memory_space<hbm>>) dst(%arg11 : memref<10112x16xf32, #tpu.memory_space<vmem_shared>>)
        tpu.yield
      }) : () -> ()
    } else {
    }
    "tpu.region"() ({
      %run_scoped3A = tpu.sem_alloc : memref<!tpu.dma_semaphore, #tpu.memory_space<semaphore_mem>>
      %dma_start3A = arith.constant 0 : i32
      %dma_start3A_13 = arith.constant 0 : i32
      %dma_start3A_14 = tpu.memref_slice %arg2[%add3A, %dma_start3A, %dma_start3A_13] : memref<32x79x128xi32, #tpu.memory_space<hbm>> -> memref<1x79x128xi32, #tpu.memory_space<hbm>>
      %dma_start3A_15 = tpu.memref_squeeze %dma_start3A_14 : memref<1x79x128xi32, #tpu.memory_space<hbm>> -> memref<79x128xi32, #tpu.memory_space<hbm>>
      %dma_start3A_16 = arith.constant 0 : i32
      %dma_start3A_17 = arith.constant 0 : i32
      %dma_start3A_18 = tpu.memref_slice %arg2[%add3A, %dma_start3A_16, %dma_start3A_17] : memref<32x79x128xi32, #tpu.memory_space<hbm>> -> memref<1x79x128xi32, #tpu.memory_space<hbm>>
      %dma_start3A_19 = tpu.memref_squeeze %dma_start3A_18 : memref<1x79x128xi32, #tpu.memory_space<hbm>> -> memref<79x128xi32, #tpu.memory_space<hbm>>
      tpu.enqueue_dma source(%dma_start3A_19 : memref<79x128xi32, #tpu.memory_space<hbm>>) target(%arg7 : memref<79x128xi32, #tpu.memory_space<vmem>>) target_semaphore(%run_scoped3A : memref<!tpu.dma_semaphore, #tpu.memory_space<semaphore_mem>>)
      %dma_wait3A = arith.constant 0 : i32
      %dma_wait3A_20 = arith.constant 0 : i32
      %dma_wait3A_21 = tpu.memref_slice %arg2[%add3A, %dma_wait3A, %dma_wait3A_20] : memref<32x79x128xi32, #tpu.memory_space<hbm>> -> memref<1x79x128xi32, #tpu.memory_space<hbm>>
      %dma_wait3A_22 = tpu.memref_squeeze %dma_wait3A_21 : memref<1x79x128xi32, #tpu.memory_space<hbm>> -> memref<79x128xi32, #tpu.memory_space<hbm>>
      %dma_wait3A_23 = arith.constant 0 : i32
      %dma_wait3A_24 = arith.constant 0 : i32
      %dma_wait3A_25 = tpu.memref_slice %arg2[%add3A, %dma_wait3A_23, %dma_wait3A_24] : memref<32x79x128xi32, #tpu.memory_space<hbm>> -> memref<1x79x128xi32, #tpu.memory_space<hbm>>
      %dma_wait3A_26 = tpu.memref_squeeze %dma_wait3A_25 : memref<1x79x128xi32, #tpu.memory_space<hbm>> -> memref<79x128xi32, #tpu.memory_space<hbm>>
      tpu.wait_dma2 semaphore(%run_scoped3A : memref<!tpu.dma_semaphore, #tpu.memory_space<semaphore_mem>>) src(%dma_wait3A_26 : memref<79x128xi32, #tpu.memory_space<hbm>>) dst(%arg7 : memref<79x128xi32, #tpu.memory_space<vmem>>)
      tpu.yield
    }) : () -> ()
    "tpu.region"() ({
      %run_scoped3A = tpu.sem_alloc : memref<!tpu.dma_semaphore, #tpu.memory_space<semaphore_mem>>
      %dma_start3A = arith.constant 0 : i32
      %dma_start3A_13 = arith.constant 0 : i32
      %dma_start3A_14 = tpu.memref_slice %arg3[%add3A, %dma_start3A, %dma_start3A_13] : memref<32x79x128xi32, #tpu.memory_space<hbm>> -> memref<1x79x128xi32, #tpu.memory_space<hbm>>
      %dma_start3A_15 = tpu.memref_squeeze %dma_start3A_14 : memref<1x79x128xi32, #tpu.memory_space<hbm>> -> memref<79x128xi32, #tpu.memory_space<hbm>>
      %dma_start3A_16 = arith.constant 0 : i32
      %dma_start3A_17 = arith.constant 0 : i32
      %dma_start3A_18 = tpu.memref_slice %arg3[%add3A, %dma_start3A_16, %dma_start3A_17] : memref<32x79x128xi32, #tpu.memory_space<hbm>> -> memref<1x79x128xi32, #tpu.memory_space<hbm>>
      %dma_start3A_19 = tpu.memref_squeeze %dma_start3A_18 : memref<1x79x128xi32, #tpu.memory_space<hbm>> -> memref<79x128xi32, #tpu.memory_space<hbm>>
      tpu.enqueue_dma source(%dma_start3A_19 : memref<79x128xi32, #tpu.memory_space<hbm>>) target(%arg8 : memref<79x128xi32, #tpu.memory_space<vmem>>) target_semaphore(%run_scoped3A : memref<!tpu.dma_semaphore, #tpu.memory_space<semaphore_mem>>)
      %dma_wait3A = arith.constant 0 : i32
      %dma_wait3A_20 = arith.constant 0 : i32
      %dma_wait3A_21 = tpu.memref_slice %arg3[%add3A, %dma_wait3A, %dma_wait3A_20] : memref<32x79x128xi32, #tpu.memory_space<hbm>> -> memref<1x79x128xi32, #tpu.memory_space<hbm>>
      %dma_wait3A_22 = tpu.memref_squeeze %dma_wait3A_21 : memref<1x79x128xi32, #tpu.memory_space<hbm>> -> memref<79x128xi32, #tpu.memory_space<hbm>>
      %dma_wait3A_23 = arith.constant 0 : i32
      %dma_wait3A_24 = arith.constant 0 : i32
      %dma_wait3A_25 = tpu.memref_slice %arg3[%add3A, %dma_wait3A_23, %dma_wait3A_24] : memref<32x79x128xi32, #tpu.memory_space<hbm>> -> memref<1x79x128xi32, #tpu.memory_space<hbm>>
      %dma_wait3A_26 = tpu.memref_squeeze %dma_wait3A_25 : memref<1x79x128xi32, #tpu.memory_space<hbm>> -> memref<79x128xi32, #tpu.memory_space<hbm>>
      tpu.wait_dma2 semaphore(%run_scoped3A : memref<!tpu.dma_semaphore, #tpu.memory_space<semaphore_mem>>) src(%dma_wait3A_26 : memref<79x128xi32, #tpu.memory_space<hbm>>) dst(%arg8 : memref<79x128xi32, #tpu.memory_space<vmem>>)
      tpu.yield
    }) : () -> ()
    %barrier3A = arith.constant 0 : index
    tpu.barrier barrier_id(%barrier3A)
    %scan3A = arith.constant 0 : i32
    %scan3A_3 = arith.constant 0 : i32
    %scan3A_4 = arith.constant 79 : i32
    %scan3A_5 = arith.addi %scan3A_3, %scan3A_4 : i32
    %scan3A_6 = arith.constant 1 : i32
    scf.for %scan3A_13 = %scan3A_3 to %scan3A_5 step %scan3A_6  : i32 {
      %dma_start3A = arith.constant 0 : i32
      %dma_start3A_14 = tpu.memref_slice %arg7[%scan3A_13, %dma_start3A] : memref<79x128xi32, #tpu.memory_space<vmem>> -> memref<1x128xi32, #tpu.memory_space<vmem>>
      %dma_start3A_15 = tpu.memref_squeeze %dma_start3A_14 : memref<1x128xi32, #tpu.memory_space<vmem>> -> memref<128xi32, #tpu.memory_space<vmem>>
      %dma_start3A_16 = arith.constant 0 : i32
      %dma_start3A_17 = arith.constant 0 : i32
      %dma_start3A_18 = tpu.memref_slice %arg4[%dma_start3A_16, %dma_start3A_17] : memref<10112x16xf32, #tpu.memory_space<hbm>> -> memref<10112x16xf32, #tpu.memory_space<hbm>>
      tpu.enqueue_indirect_dma source(%dma_start3A_18 : memref<10112x16xf32, #tpu.memory_space<hbm>>) target(%arg9 : memref<128x16xf32, #tpu.memory_space<vmem>>) offsets(%dma_start3A_15 : memref<128xi32, #tpu.memory_space<vmem>>) semaphore(%arg10 : memref<!tpu.dma_semaphore, #tpu.memory_space<semaphore_mem>>)
      %dma_wait3A = arith.constant 0 : i32
      %dma_wait3A_19 = tpu.memref_slice %arg7[%scan3A_13, %dma_wait3A] : memref<79x128xi32, #tpu.memory_space<vmem>> -> memref<1x128xi32, #tpu.memory_space<vmem>>
      %dma_wait3A_20 = tpu.memref_squeeze %dma_wait3A_19 : memref<1x128xi32, #tpu.memory_space<vmem>> -> memref<128xi32, #tpu.memory_space<vmem>>
      %dma_wait3A_21 = arith.constant 0 : i32
      %dma_wait3A_22 = arith.constant 0 : i32
      %dma_wait3A_23 = tpu.memref_slice %arg4[%dma_wait3A_21, %dma_wait3A_22] : memref<10112x16xf32, #tpu.memory_space<hbm>> -> memref<10112x16xf32, #tpu.memory_space<hbm>>
      tpu.wait_indirect_dma semaphore(%arg10 : memref<!tpu.dma_semaphore, #tpu.memory_space<semaphore_mem>>) src(%dma_wait3A_23 : memref<10112x16xf32, #tpu.memory_space<hbm>>) dst(%arg9 : memref<128x16xf32, #tpu.memory_space<vmem>>)
      "tpu.region"() ({
        %run_scoped3A = tpu.sem_alloc : memref<!tpu.dma_semaphore, #tpu.memory_space<semaphore_mem>>
        %dma_start3A_24 = arith.constant 0 : i32
        %dma_start3A_25 = tpu.memref_slice %arg8[%scan3A_13, %dma_start3A_24] : memref<79x128xi32, #tpu.memory_space<vmem>> -> memref<1x128xi32, #tpu.memory_space<vmem>>
        %dma_start3A_26 = tpu.memref_squeeze %dma_start3A_25 : memref<1x128xi32, #tpu.memory_space<vmem>> -> memref<128xi32, #tpu.memory_space<vmem>>
        %dma_start3A_27 = arith.constant 0 : i32
        %dma_start3A_28 = arith.constant 0 : i32
        %dma_start3A_29 = tpu.memref_slice %arg11[%dma_start3A_27, %dma_start3A_28] : memref<10112x16xf32, #tpu.memory_space<vmem_shared>> -> memref<10112x16xf32, #tpu.memory_space<vmem_shared>>
        tpu.enqueue_indirect_dma source(%arg9 : memref<128x16xf32, #tpu.memory_space<vmem>>) target(%dma_start3A_29 : memref<10112x16xf32, #tpu.memory_space<vmem_shared>>) offsets(%dma_start3A_26 : memref<128xi32, #tpu.memory_space<vmem>>) semaphore(%run_scoped3A : memref<!tpu.dma_semaphore, #tpu.memory_space<semaphore_mem>>) {add = true}
        %dma_wait3A_30 = arith.constant 0 : i32
        %dma_wait3A_31 = tpu.memref_slice %arg8[%scan3A_13, %dma_wait3A_30] : memref<79x128xi32, #tpu.memory_space<vmem>> -> memref<1x128xi32, #tpu.memory_space<vmem>>
        %dma_wait3A_32 = tpu.memref_squeeze %dma_wait3A_31 : memref<1x128xi32, #tpu.memory_space<vmem>> -> memref<128xi32, #tpu.memory_space<vmem>>
        %dma_wait3A_33 = arith.constant 0 : i32
        %dma_wait3A_34 = arith.constant 0 : i32
        %dma_wait3A_35 = tpu.memref_slice %arg11[%dma_wait3A_33, %dma_wait3A_34] : memref<10112x16xf32, #tpu.memory_space<vmem_shared>> -> memref<10112x16xf32, #tpu.memory_space<vmem_shared>>
        tpu.wait_indirect_dma semaphore(%run_scoped3A : memref<!tpu.dma_semaphore, #tpu.memory_space<semaphore_mem>>) src(%arg9 : memref<128x16xf32, #tpu.memory_space<vmem>>) dst(%dma_wait3A_35 : memref<10112x16xf32, #tpu.memory_space<vmem_shared>>)
        tpu.yield
      }) : () -> ()
    }
    %scan3A_7 = arith.constant 79 : i32
    %barrier3A_8 = arith.constant 0 : index
    tpu.barrier barrier_id(%barrier3A_8)
    %mul3A_9 = arith.constant 632 : i32
    %mul3A_10 = arith.muli %arg1, %mul3A_9 : i32
    %mul3A_11 = arith.constant 632 : i32
    %mul3A_12 = arith.muli %arg1, %mul3A_11 : i32
    "tpu.region"() ({
      %run_scoped3A = tpu.sem_alloc : memref<!tpu.dma_semaphore, #tpu.memory_space<semaphore_mem>>
      %dma_start3A = arith.constant 0 : i32
      %dma_start3A_13 = arith.constant 0 : i32
      %dma_start3A_14 = tpu.memref_slice %arg6[%arg0, %dma_start3A, %dma_start3A_13] : memref<2x10112x16xf32, #tpu.memory_space<hbm>> -> memref<1x10112x16xf32, #tpu.memory_space<hbm>>
      %dma_start3A_15 = tpu.memref_squeeze %dma_start3A_14 : memref<1x10112x16xf32, #tpu.memory_space<hbm>> -> memref<10112x16xf32, #tpu.memory_space<hbm>>
      %dma_start3A_16 = arith.constant 0 : i32
      %dma_start3A_17 = tpu.memref_slice %dma_start3A_15[%mul3A_12, %dma_start3A_16] : memref<10112x16xf32, #tpu.memory_space<hbm>> -> memref<632x16xf32, #tpu.memory_space<hbm>>
      %dma_start3A_18 = arith.constant 0 : i32
      %dma_start3A_19 = tpu.memref_slice %arg11[%mul3A_10, %dma_start3A_18] : memref<10112x16xf32, #tpu.memory_space<vmem_shared>> -> memref<632x16xf32, #tpu.memory_space<vmem_shared>>
      tpu.enqueue_dma source(%dma_start3A_19 : memref<632x16xf32, #tpu.memory_space<vmem_shared>>) target(%dma_start3A_17 : memref<632x16xf32, #tpu.memory_space<hbm>>) target_semaphore(%run_scoped3A : memref<!tpu.dma_semaphore, #tpu.memory_space<semaphore_mem>>)
      %dma_wait3A = arith.constant 0 : i32
      %dma_wait3A_20 = arith.constant 0 : i32
      %dma_wait3A_21 = tpu.memref_slice %arg6[%arg0, %dma_wait3A, %dma_wait3A_20] : memref<2x10112x16xf32, #tpu.memory_space<hbm>> -> memref<1x10112x16xf32, #tpu.memory_space<hbm>>
      %dma_wait3A_22 = tpu.memref_squeeze %dma_wait3A_21 : memref<1x10112x16xf32, #tpu.memory_space<hbm>> -> memref<10112x16xf32, #tpu.memory_space<hbm>>
      %dma_wait3A_23 = arith.constant 0 : i32
      %dma_wait3A_24 = tpu.memref_slice %dma_wait3A_22[%mul3A_12, %dma_wait3A_23] : memref<10112x16xf32, #tpu.memory_space<hbm>> -> memref<632x16xf32, #tpu.memory_space<hbm>>
      %dma_wait3A_25 = arith.constant 0 : i32
      %dma_wait3A_26 = tpu.memref_slice %arg11[%mul3A_10, %dma_wait3A_25] : memref<10112x16xf32, #tpu.memory_space<vmem_shared>> -> memref<632x16xf32, #tpu.memory_space<vmem_shared>>
      tpu.wait_dma2 semaphore(%run_scoped3A : memref<!tpu.dma_semaphore, #tpu.memory_space<semaphore_mem>>) src(%dma_wait3A_26 : memref<632x16xf32, #tpu.memory_space<vmem_shared>>) dst(%dma_wait3A_24 : memref<632x16xf32, #tpu.memory_space<hbm>>)
      tpu.yield
    }) : () -> ()
    return
  }
}

module attributes {stable_mosaic.version = 14 : i64} {
  func.func @_tc1_body(%arg0: memref<2x10112x16xf32, #tpu.memory_space<vmem>>, %arg1: memref<10112x128xf32, #tpu.memory_space<vmem>>, %arg2: memref<128x16xf32, #tpu.memory_space<vmem>>, %arg3: memref<10112x16xf32, #tpu.memory_space<vmem>>, %arg4: memref<10112x16xf32, #tpu.memory_space<vmem>>) attributes {dimension_semantics = [], scalar_prefetch = 0 : i64, scratch_operands = 0 : i64, tpu.core_type = #tpu.core_type<tc>} {
    %get3A = arith.constant 0 : index
    %get3A_0 = arith.constant 0 : index
    %get3A_1 = arith.constant 0 : index
    %get3A_2 = vector.load %arg0[%get3A, %get3A_0, %get3A_1] : memref<2x10112x16xf32, #tpu.memory_space<vmem>>, vector<1x10112x16xf32>
    %get3A_3 = vector.shape_cast %get3A_2 : vector<1x10112x16xf32> to vector<10112x16xf32>
    %get3A_4 = arith.constant 1 : index
    %get3A_5 = arith.constant 0 : index
    %get3A_6 = arith.constant 0 : index
    %get3A_7 = vector.load %arg0[%get3A_4, %get3A_5, %get3A_6] : memref<2x10112x16xf32, #tpu.memory_space<vmem>>, vector<1x10112x16xf32>
    %get3A_8 = vector.shape_cast %get3A_7 : vector<1x10112x16xf32> to vector<10112x16xf32>
    %add3A = arith.addf %get3A_3, %get3A_8 : vector<10112x16xf32>
    %add3A_9 = arith.constant 1.000000e+00 : f32
    %add3A_10 = vector.broadcast %add3A_9 : f32 to vector<10112x16xf32>
    %add3A_11 = arith.addf %add3A, %add3A_10 : vector<10112x16xf32>
    %rsqrt3A = math.rsqrt %add3A_11 : vector<10112x16xf32>
    %swap3A = arith.constant 0 : index
    %swap3A_12 = arith.constant 0 : index
    %swap3A_13 = vector.load %arg3[%swap3A, %swap3A_12] : memref<10112x16xf32, #tpu.memory_space<vmem>>, vector<10112x16xf32>
    tpu.vector_store %arg3[%swap3A, %swap3A_12], %rsqrt3A {strides = array<i32>} : memref<10112x16xf32, #tpu.memory_space<vmem>>, vector<10112x16xf32>,
    %get3A_14 = arith.constant 0 : index
    %get3A_15 = arith.constant 0 : index
    %get3A_16 = vector.load %arg1[%get3A_14, %get3A_15] : memref<10112x128xf32, #tpu.memory_space<vmem>>, vector<10112x128xf32>
    %get3A_17 = arith.constant 0 : index
    %get3A_18 = arith.constant 0 : index
    %get3A_19 = vector.load %arg2[%get3A_17, %get3A_18] : memref<128x16xf32, #tpu.memory_space<vmem>>, vector<128x16xf32>
    %dot_general3A = arith.constant dense<0.000000e+00> : vector<10112x16xf32>
    %dot_general3A_20 = tpu.matmul %get3A_16, %get3A_19, %dot_general3A {dimension_numbers = #tpu.dot_dimension_numbers<[1], [0], [0], [1], [0, 0, 1, 1], [], []>, transpose_lhs_hint = false} : vector<10112x128xf32>, vector<128x16xf32>, vector<10112x16xf32> -> vector<10112x16xf32>
    %mul3A = arith.mulf %rsqrt3A, %dot_general3A_20 : vector<10112x16xf32>
    %swap3A_21 = arith.constant 0 : index
    %swap3A_22 = arith.constant 0 : index
    %swap3A_23 = vector.load %arg4[%swap3A_21, %swap3A_22] : memref<10112x16xf32, #tpu.memory_space<vmem>>, vector<10112x16xf32>
    tpu.vector_store %arg4[%swap3A_21, %swap3A_22], %mul3A {strides = array<i32>} : memref<10112x16xf32, #tpu.memory_space<vmem>>, vector<10112x16xf32>,
    return
  }
}

module attributes {stable_mosaic.version = 14 : i64} {
  func.func @_tc2_body(%arg0: memref<2x10112x16xf32, #tpu.memory_space<vmem>>, %arg1: memref<10112x16xf32, #tpu.memory_space<vmem>>, %arg2: memref<10112x16xf32, #tpu.memory_space<vmem>>, %arg3: memref<1x16xf32, #tpu.memory_space<vmem>>, %arg4: memref<10112x16xf32, #tpu.memory_space<vmem>>) attributes {dimension_semantics = [], scalar_prefetch = 0 : i64, scratch_operands = 0 : i64, tpu.core_type = #tpu.core_type<tc>} {
    %get3A = arith.constant 0 : index
    %get3A_0 = arith.constant 0 : index
    %get3A_1 = arith.constant 0 : index
    %get3A_2 = vector.load %arg0[%get3A, %get3A_0, %get3A_1] : memref<2x10112x16xf32, #tpu.memory_space<vmem>>, vector<1x10112x16xf32>
    %get3A_3 = vector.shape_cast %get3A_2 : vector<1x10112x16xf32> to vector<10112x16xf32>
    %get3A_4 = arith.constant 1 : index
    %get3A_5 = arith.constant 0 : index
    %get3A_6 = arith.constant 0 : index
    %get3A_7 = vector.load %arg0[%get3A_4, %get3A_5, %get3A_6] : memref<2x10112x16xf32, #tpu.memory_space<vmem>>, vector<1x10112x16xf32>
    %get3A_8 = vector.shape_cast %get3A_7 : vector<1x10112x16xf32> to vector<10112x16xf32>
    %add3A = arith.addf %get3A_3, %get3A_8 : vector<10112x16xf32>
    %get3A_9 = arith.constant 0 : index
    %get3A_10 = arith.constant 0 : index
    %get3A_11 = vector.load %arg1[%get3A_9, %get3A_10] : memref<10112x16xf32, #tpu.memory_space<vmem>>, vector<10112x16xf32>
    %add3A_12 = arith.addf %add3A, %get3A_11 : vector<10112x16xf32>
    %get3A_13 = arith.constant 0 : index
    %get3A_14 = arith.constant 0 : index
    %get3A_15 = vector.load %arg2[%get3A_13, %get3A_14] : memref<10112x16xf32, #tpu.memory_space<vmem>>, vector<10112x16xf32>
    %mul3A = arith.mulf %get3A_15, %add3A_12 : vector<10112x16xf32>
    %get3A_16 = arith.constant 0 : index
    %get3A_17 = arith.constant 0 : index
    %get3A_18 = vector.load %arg3[%get3A_16, %get3A_17] : memref<1x16xf32, #tpu.memory_space<vmem>>, vector<1x16xf32>
    %add3A_19 = vector.broadcast %get3A_18 : vector<1x16xf32> to vector<10112x16xf32>
    %add3A_20 = arith.addf %mul3A, %add3A_19 : vector<10112x16xf32>
    %get3A_21 = arith.constant 0 : index
    %get3A_22 = arith.constant 0 : index
    %get3A_23 = vector.load %arg2[%get3A_21, %get3A_22] : memref<10112x16xf32, #tpu.memory_space<vmem>>, vector<10112x16xf32>
    %max3A = arith.constant 0.000000e+00 : f32
    %max3A_24 = vector.broadcast %max3A : f32 to vector<10112x16xf32>
    %max3A_25 = arith.maximumf %add3A_20, %max3A_24 : vector<10112x16xf32>
    %mul3A_26 = arith.mulf %get3A_23, %max3A_25 : vector<10112x16xf32>
    %swap3A = arith.constant 0 : index
    %swap3A_27 = arith.constant 0 : index
    %swap3A_28 = vector.load %arg4[%swap3A, %swap3A_27] : memref<10112x16xf32, #tpu.memory_space<vmem>>, vector<10112x16xf32>
    tpu.vector_store %arg4[%swap3A, %swap3A_27], %mul3A_26 {strides = array<i32>} : memref<10112x16xf32, #tpu.memory_space<vmem>>, vector<10112x16xf32>,
    return
  }
}

module attributes {stable_mosaic.version = 14 : i64} {
  func.func @_tc3_body(%arg0: memref<2x10112x16xf32, #tpu.memory_space<vmem>>, %arg1: memref<10112x16xf32, #tpu.memory_space<vmem>>, %arg2: memref<10112x16xf32, #tpu.memory_space<vmem>>, %arg3: memref<16x3xf32, #tpu.memory_space<vmem>>, %arg4: memref<1x3xf32, #tpu.memory_space<vmem>>, %arg5: memref<10112x3xf32, #tpu.memory_space<vmem>>) attributes {dimension_semantics = [], scalar_prefetch = 0 : i64, scratch_operands = 0 : i64, tpu.core_type = #tpu.core_type<tc>} {
    %get3A = arith.constant 0 : index
    %get3A_0 = arith.constant 0 : index
    %get3A_1 = vector.load %arg2[%get3A, %get3A_0] : memref<10112x16xf32, #tpu.memory_space<vmem>>, vector<10112x16xf32>
    %get3A_2 = arith.constant 0 : index
    %get3A_3 = arith.constant 0 : index
    %get3A_4 = arith.constant 0 : index
    %get3A_5 = vector.load %arg0[%get3A_2, %get3A_3, %get3A_4] : memref<2x10112x16xf32, #tpu.memory_space<vmem>>, vector<1x10112x16xf32>
    %get3A_6 = vector.shape_cast %get3A_5 : vector<1x10112x16xf32> to vector<10112x16xf32>
    %get3A_7 = arith.constant 1 : index
    %get3A_8 = arith.constant 0 : index
    %get3A_9 = arith.constant 0 : index
    %get3A_10 = vector.load %arg0[%get3A_7, %get3A_8, %get3A_9] : memref<2x10112x16xf32, #tpu.memory_space<vmem>>, vector<1x10112x16xf32>
    %get3A_11 = vector.shape_cast %get3A_10 : vector<1x10112x16xf32> to vector<10112x16xf32>
    %add3A = arith.addf %get3A_6, %get3A_11 : vector<10112x16xf32>
    %get3A_12 = arith.constant 0 : index
    %get3A_13 = arith.constant 0 : index
    %get3A_14 = vector.load %arg1[%get3A_12, %get3A_13] : memref<10112x16xf32, #tpu.memory_space<vmem>>, vector<10112x16xf32>
    %add3A_15 = arith.addf %add3A, %get3A_14 : vector<10112x16xf32>
    %mul3A = arith.mulf %get3A_1, %add3A_15 : vector<10112x16xf32>
    %get3A_16 = arith.constant 0 : index
    %get3A_17 = arith.constant 0 : index
    %get3A_18 = vector.load %arg3[%get3A_16, %get3A_17] : memref<16x3xf32, #tpu.memory_space<vmem>>, vector<16x3xf32>
    %dot_general3A = arith.constant dense<0.000000e+00> : vector<10112x3xf32>
    %dot_general3A_19 = tpu.matmul %mul3A, %get3A_18, %dot_general3A {dimension_numbers = #tpu.dot_dimension_numbers<[1], [0], [0], [1], [0, 0, 1, 1], [], []>, transpose_lhs_hint = false} : vector<10112x16xf32>, vector<16x3xf32>, vector<10112x3xf32> -> vector<10112x3xf32>
    %get3A_20 = arith.constant 0 : index
    %get3A_21 = arith.constant 0 : index
    %get3A_22 = vector.load %arg4[%get3A_20, %get3A_21] : memref<1x3xf32, #tpu.memory_space<vmem>>, vector<1x3xf32>
    %add3A_23 = vector.broadcast %get3A_22 : vector<1x3xf32> to vector<10112x3xf32>
    %add3A_24 = arith.addf %dot_general3A_19, %add3A_23 : vector<10112x3xf32>
    %reduce_max3A = arith.constant dense<0xFF800000> : vector<10112xf32>
    %reduce_max3A_25 = vector.multi_reduction <maximumf>, %add3A_24, %reduce_max3A [1] : vector<10112x3xf32> to vector<10112xf32>
    %max3A = arith.constant 0xFF800000 : f32
    %max3A_26 = vector.broadcast %max3A : f32 to vector<10112xf32>
    %max3A_27 = arith.maximumf %max3A_26, %reduce_max3A_25 : vector<10112xf32>
    %broadcast_in_dim3A = vector.shape_cast %max3A_27 : vector<10112xf32> to vector<10112x1xf32>
    %sub3A = vector.broadcast %broadcast_in_dim3A : vector<10112x1xf32> to vector<10112x3xf32>
    %sub3A_28 = arith.subf %add3A_24, %sub3A : vector<10112x3xf32>
    %exp3A = math.exp %sub3A_28 : vector<10112x3xf32>
    %reduce_sum3A = arith.constant dense<0.000000e+00> : vector<10112xf32>
    %reduce_sum3A_29 = vector.multi_reduction <add>, %exp3A, %reduce_sum3A [1] : vector<10112x3xf32> to vector<10112xf32>
    %broadcast_in_dim3A_30 = vector.shape_cast %reduce_sum3A_29 : vector<10112xf32> to vector<10112x1xf32>
    %div3A = vector.broadcast %broadcast_in_dim3A_30 : vector<10112x1xf32> to vector<10112x3xf32>
    %div3A_31 = arith.divf %exp3A, %div3A : vector<10112x3xf32>
    %swap3A = arith.constant 0 : index
    %swap3A_32 = arith.constant 0 : index
    %swap3A_33 = vector.load %arg5[%swap3A, %swap3A_32] : memref<10112x3xf32, #tpu.memory_space<vmem>>, vector<10112x3xf32>
    tpu.vector_store %arg5[%swap3A, %swap3A_32], %div3A_31 {strides = array<i32>} : memref<10112x3xf32, #tpu.memory_space<vmem>>, vector<10112x3xf32>,
    return
  }
}

</mosaic_0001>

<sc_bundles>
// kernel: kernel.11.cloned.1.call-start
scs
__scs_entry_jumppad:
0x0: {  	(pc) =	sbr.rel $0x88, $3  }
0x1: {  	(tag) =	ssettag $0x0;
	lr =	simm.s32 $0x1  }
0x2: {  	[smem:$0x3F9B] =	sst lr;
	_ =	strace $0xD0000000  }
0x3: {  	_ = 	snop  }
0x4: {  	_ = 	snop  }
0x5: {  	_ = 	snop  }
0x6: {  	_ = 	snop  }
0x7: {  	_ = 	snop  }
__scs_overlays_trampoline_lowered:
0x8: {  	[smem:$0x3FAA] =	sst s0  }
0x9: {  	[smem:$0x3FAB] =	sst s1  }
0xa: {  	[smem:$0x3FAC] =	sst s2  }
0xb: {  	[smem:$0x3FAD] =	sst s3  }
0xc: {  	[smem:$0x3FAE] =	sst s4  }
0xd: {  	[smem:$0x3FAF] =	sst s5  }
0xe: {  	[smem:$0x3FB0] =	sst s6  }
0xf: {  	[smem:$0x3FB1] =	sst s7  }
0x10: {  	[smem:$0x3FB2] =	sst s8  }
0x11: {  	[smem:$0x3FB3] =	sst s9;
	s0 =	simm.s32 @!p0 $0x0  }
0x12: {  	s1 =	sld [smem:$0x3F99];
	s0 =	simm.s32 @p0 $0x1  }
0x13: {  	[smem:$0x3FB4] =	sst s0;
	s0 =	simm.s32 @!p1 $0x0  }
0x14: {  	s2 =	sld [smem:$0x3F98];
	s0 =	simm.s32 @p1 $0x1  }
0x15: {  	[smem:$0x3FB5] =	sst s0;
	s0 =	simm.s32 @!p2 $0x0  }
0x16: {  	s3 =	sld [smem:$0x3FDB];
	s0 =	simm.s32 @p2 $0x1  }
0x17: {  	s4 =	simm.s32 $0x1BF5;
	[smem:$0x3FB7] =	sst s0  }
0x18: {  	s0 =	sld [smem:$0x3F9A];
	_ =	swait.ge [sflag:s4], $0x0  }
0x19: {  	s7 =	sld [smem:$0x3F9B]  }
0x1a: {  	s8 =	sadd.s32 $0xFFFFE003, lr  }
0x1b: {  	s9 =	sadd.s32 $0xFFFFFEF7, lr;
	s5 =	simm.s32 $0xFFFFFFFF;
	p2 =	slt.u32 s8, $0xFFFFF086  }
0x1c: {  	p1 =	slt.u32 s9, $0xF7A;
	s5 =	simm.s32 @!p2 $0x0  }
0x1d: {  	s5 =	simm.s32 @p1 $0x1;
	p0 =	seq.s32 s7, s2  }
0x1e: {  	s7 =	smul.u32 @!p0 $0xF7A, s2;
	p2 =	seq.s32 @!p0 s5, $0x0  }
0x1f: {  	s9 =	smul.u32 $0xF7A, s1;
	s8 =	simm.s32 @!p0 $0x1BF5;
	p2 =	por !p2, p0  }
0x20: {  	[sflag:s8] =	ssyncset.s32 @!p0 $0xFFFFF086;
	s6 =	sadd.s32 @!p0 s3, s7;
	s7 =	simm.s32 @!p0 $0x108  }
0x21: {  	s3 =	sadd.s32 s3, s9;
	s6 =	sadd.s32 @!p0 $0x88, s6;
	s7 =	simm.s32 @p2 $0x1082  }
0x22: {  	[simem:s7], [sflag:s8] =	dma.local @!p0 [hbm:s6], $0xF7A  }
0x23: {  	s9 =	sor.u32 $0xD0000000, s2;
	s6 =	simm.s32 $0x108;
	_ =	swait.ge @!p0 [sflag:s8], $0x0  }
0x24: {  	s3 =	sadd.s32 $0x88, s3;
	s6 =	simm.s32 @!p1 $0x1082;
	[sflag:s4] =	ssyncset.s32 $0xFFFFF086  }
0x25: {  	[simem:s6], [sflag:s4] =	dma.local [hbm:s3], $0xF7A  }
0x26: {  	[smem:$0x3F9B] =	sst s1;
	(tag) =	ssettag s2;
	_ =	strace s9  }
0x27: {  	s1 =	sld [smem:$0x3FAB]  }
0x28: {  	s2 =	sld [smem:$0x3FAC]  }
0x29: {  	s4 =	sld [smem:$0x3FAE]  }
0x2a: {  	p0 =	seq.s32 s5, $0x0;
	s5 =	sld [smem:$0x3FAF]  }
0x2b: {  	s6 =	sld [smem:$0x3FB0]  }
0x2c: {  	s7 =	sld [smem:$0x3FB1]  }
0x2d: {  	s3 =	simm.s32 $0x108;
	s8 =	sld [smem:$0x3FB2]  }
0x2e: {  	s3 =	simm.s32 @!p0 $0x1082;
	s9 =	sld [smem:$0x3FB3]  }
0x2f: {  	lr =	sadd.s32 s0, s3;
	s0 =	sld [smem:$0x3FAA]  }
0x30: {  	s3 =	sld [smem:$0x3FAD]  }
0x31: {  	[smem:$0x3FB6] =	sst s10  }
0x32: {  	s10 =	sld [smem:$0x3FB4];
	_ =	sdelay $0x3  }
0x33: {  	p0 =	seq.s32 s10, $0x1;
	s10 =	sld [smem:$0x3FB6];
	_ =	sdelay $0x3  }
0x34: {  	[smem:$0x3FB6] =	sst s10  }
0x35: {  	s10 =	sld [smem:$0x3FB5];
	_ =	sdelay $0x3  }
0x36: {  	p1 =	seq.s32 s10, $0x1;
	s10 =	sld [smem:$0x3FB6];
	_ =	sdelay $0x3  }
0x37: {  	[smem:$0x3FB6] =	sst s10  }
0x38: {  	s10 =	sld [smem:$0x3FB7]  }
0x39: {  	_ = 	snop;
	(pc) =	sbr.ind lr, $3  }
0x3a: {  	_ = 	snop  }
0x3b: {  	_ = 	snop  }
0x3c: {  	p2 =	seq.s32 s10, $0x1;
	s10 =	sld [smem:$0x3FB6]  }
0x3d: {  	_ =	shalt  }
0x3e: {  	_ =	shalt  }
0x3f: {  	_ =	shalt  }
0x40: {  	_ =	shalt  }
0x41: {  	_ =	shalt  }
0x42: {  	_ =	shalt  }
0x43: {  	_ =	shalt  }
0x44: {  	_ =	shalt  }
0x45: {  	_ =	shalt  }
0x46: {  	_ =	shalt  }
0x47: {  	_ =	shalt  }
0x48: {  	_ =	shalt  }
0x49: {  	_ =	shalt  }
0x4a: {  	_ =	shalt  }
0x4b: {  	_ =	shalt  }
0x4c: {  	_ =	shalt  }
0x4d: {  	_ =	shalt  }
0x4e: {  	_ =	shalt  }
0x4f: {  	_ =	shalt  }
0x50: {  	_ =	shalt  }
0x51: {  	_ =	shalt  }
0x52: {  	_ =	shalt  }
0x53: {  	_ =	shalt  }
0x54: {  	_ =	shalt  }
0x55: {  	_ =	shalt  }
0x56: {  	_ =	shalt  }
0x57: {  	_ =	shalt  }
0x58: {  	_ =	shalt  }
0x59: {  	_ =	shalt  }
0x5a: {  	_ =	shalt  }
0x5b: {  	_ =	shalt  }
0x5c: {  	_ =	shalt  }
0x5d: {  	_ =	shalt  }
0x5e: {  	_ =	shalt  }
0x5f: {  	_ =	shalt  }
0x60: {  	_ =	shalt  }
0x61: {  	_ =	shalt  }
0x62: {  	_ =	shalt  }
0x63: {  	_ =	shalt  }
0x64: {  	_ =	shalt  }
0x65: {  	_ =	shalt  }
0x66: {  	_ =	shalt  }
0x67: {  	_ =	shalt  }
0x68: {  	_ =	shalt  }
0x69: {  	_ =	shalt  }
0x6a: {  	_ =	shalt  }
0x6b: {  	_ =	shalt  }
0x6c: {  	_ =	shalt  }
0x6d: {  	_ =	shalt  }
0x6e: {  	_ =	shalt  }
0x6f: {  	_ =	shalt  }
0x70: {  	_ =	shalt  }
0x71: {  	_ =	shalt  }
0x72: {  	_ =	shalt  }
0x73: {  	_ =	shalt  }
0x74: {  	_ =	shalt  }
0x75: {  	_ =	shalt  }
0x76: {  	_ =	shalt  }
0x77: {  	_ =	shalt  }
0x78: {  	_ =	shalt  }
0x79: {  	_ =	shalt  }
0x7a: {  	_ =	shalt  }
0x7b: {  	_ =	shalt  }
0x7c: {  	_ =	shalt  }
0x7d: {  	_ =	shalt  }
0x7e: {  	_ =	shalt  }
0x7f: {  	_ =	shalt  }
0x80: {  	_ =	shalt  }
0x81: {  	_ =	shalt  }
0x82: {  	_ =	shalt  }
0x83: {  	_ =	shalt  }
0x84: {  	_ =	shalt  }
0x85: {  	_ =	shalt  }
0x86: {  	_ =	shalt  }
0x87: {  	_ =	shalt  }
.Lfunc_end0:
.L_simem_size_0:
called_computation.1_lowered:
.L_overlay_start_0:
0x88: {  	s2 =	sld [smem:$0x3FD9]  }
0x89: {  	s3 =	sld [smem:$0x3FFE];
	_ =	sdelay $0x1  }
0x8a: {  	s1 =	srdreg.scid  }
0x8b: {  	s0 =	sand.u32 $0x1, s1  }
0x8c: {  	s16 =	sshll.u32 s0, $0xA;
	s2 =	sadd.s32 s3, s2  }
0x8d: {  	s2 =	sadd.s32 s2, s16  }
0x8e: {  	[smem:$0x3FC2] =	sst s2  }
0x8f: {  	_ = 	snop  }
0x90: {  	(tm) =	ssettm $0x1  }
0x91: {  	s17 =	sld [smem:$0x3FFB];
	_ =	sdelay $0x3  }
0x92: {  	_ =	strace s17  }
0x93: {  	s2 =	sld [smem:$0x3FFC];
	_ =	sdelay $0x3  }
0x94: {  	_ =	strace s2  }
0x95: {  	s2 =	sld [smem:$0x3FFD];
	_ =	sdelay $0x3  }
0x96: {  	_ =	strace s2  }
0x97: {  	_ =	strace $0x8FFFFFFF  }
0x98: {  	s18 =	sld [smem:$0x3FDB];
	_ =	sdelay $0x1  }
0x99: {  	s19 =	simm.s32 $_scs_section_size  }
0x9a: {  	s4 =	simm.s32 $_size__tile_overlayer_lowered;
	s5 =	simm.s32 $_tile_overlayer_lowered  }
0x9b: {  	s22 =	simm.s32 $0x1BFF;
	s21 =	sshll.u32 s5, $0x1;
	s2 =	sadd.s32 s19, s18  }
0x9c: {  	s6 =	simm.s32 $0x0;
	s20 =	sshll.u32 s4, $0x1;
	s4 =	sadd.s32 s21, s2  }
0x9d: {  	[timem:s6], [sflag:s22] =	dma.local [hbm:s4], s20  }
0x9e: {  	_ =	swait.ge [sflag:s22], s20  }
0x9f: {  	s3 =	ssub.s32 $0x0, s20;
	[sflag:s22] =	ssyncset.done $0x0  }
0xa0: {  	[sflag:s22] =	ssyncadd.s32 s3;
	_ =	sdelay $0x1  }
0xa1: {  	s23 =	simm.s32 $0x1B8B  }
0xa2: {  	_ =	swait.ge [sflag:s23], $0x1  }
0xa3: {  	[sflag:s23] =	ssyncset.done $0x0  }
0xa4: {  	s25 =	simm.s32 $0x1B8E;
	s24 =	sld [smem:$0x3FFE];
	[sflag:s23] =	ssyncadd.s32 $0xFFFFFFFF  }
0xa5: {  	s26 =	simm.s32 $execute0_lowered;
	[smem:$0x3FD2] =	sst s25  }
0xa6: {  	s4 =	sshll.u32 s26, $0x1;
	_ =	strace $0x80000049;
	[dreg:$0x1] =	wrdreg $0xFFFFFFFF  }
0xa7: {  	s28 =	simm.s32 $_size_execute0_lowered;
	s2 =	sadd.s32 s2, s4;
	[dreg:$0x0] =	wrdreg $0x0  }
0xa8: {  	s4 =	sshll.u32 s28, $0x1;
	[dreg:$0x2] =	wrdreg s2  }
0xa9: {  	[dreg:$0x3] =	wrdreg s4  }
0xaa: {  	[dreg:$0x4] =	wrdreg $0xC0  }
0xab: {  	_ =	task [dreg:s6], $0x5FFFF  }
0xac: {  	[dreg:$0x1] =	wrdreg $0xFFFFFFFF  }
0xad: {  	[dreg:$0x0] =	wrdreg $0x60  }
0xae: {  	[dreg:$0x2] =	wrdreg s24  }
0xaf: {  	[dreg:$0x3] =	wrdreg $0x57000  }
0xb0: {  	[dreg:$0x4] =	wrdreg $0x9  }
0xb1: {  	_ =	task.clear_ibuf [dreg:s6], $0x5FFFF;
	_ =	strace $0x90000049  }
0xb2: {  	s29 =	simm.s32 $0x9;
	_ =	strace $0x8000004B  }
0xb3: {  	_ =	swait.ge [sflag:s29], $0x1  }
0xb4: {  	[sflag:s29] =	ssyncadd.s32 $0xFFFFFFFF  }
0xb5: {  	_ =	strace $0x9000004B  }
0xb6: {  	_ =	sfence  }
0xb7: {  	s30 =	sld [smem:$0x0];
	_ =	sdelay $0x2  }
0xb8: {  	s31 =	sshll.u32 s1, $0xD;
	s1 =	sshrl.u32 s1, $0x2  }
0xb9: {  	s3 =	sand.u32 $0x4000, s31;
	s1 =	sadd.s32 s1, s30  }
0xba: {  	s0 =	sor.u32 s3, s0;
	s1 =	sshll.u32 s1, $0x11  }
0xbb: {  	s0 =	sor.u32 s1, s0  }
0xbc: {  	s0 =	sadd.s32 $0x8F2B, s0  }
0xbd: {  	[sflag:s0] =	ssyncadd.remote.s32 $0x1  }
0xbe: {  	_ =	sfence.sel $0xFFFF  }
0xbf: {  	[dreg:$0x0] =	wrdreg $0xFFFFFFFF;
	(pc) =	sbr.abs _section_cstart, $3  }
0xc0: {  	[dreg:$0x1] =	wrdreg $0xFFFFFFFF  }
0xc1: {  	_ =	task.clear_ibuf [dreg:s6], $0x2FFFF;
	_ =	strace $0x9FFFFFFF  }
0xc2: {  	(tm) =	ssettm $0x7FFFFFFF  }
0xc3: {  	_ =	shalt  }
tec
execute0_lowered:
.L_overlay_start_1:
0x0: {  	(tag) =	ssettag $0x1  }
0x1: {  	s5 =	rddreg [dreg:$0x0]  }
0x2: {  	s0 =	srdreg.scid;
	s15 =	stileid.u32  }
0x3: {  	s1 =	rddreg [dreg:$0x1];
	s2 =	simm.s32 $0x0;
	s10 =	simm.s32 $0x2780  }
0x4: {  	s11 =	simm.s32 $0x80;
	s12 =	simm.s32 $0x4F00;
	s13 =	simm.s32 $0x1  }
0x5: {  	s3 =	sand.u32 $0x1, s0;
	s4 =	sshll.u32 s15, $0x1;
	s0 =	rddreg [dreg:$0x2]  }
0x6: {  	[smem:$0x7FF] =	sst s2;
	s31 =	smul.u32 $0x2780, s15;
	p0 =	sne.s32 s15, $0x0  }
0x7: {  	s15 =	sshll.u32 s15, $0x6;
	s4 =	sor.u32 s3, s4;
	_ =	strace $0x8000004A  }
0x8: {  	s7 =	smul.u32 $0x4F00, s3;
	s8 =	ssub.s32 $0x2, s3;
	s3 =	sadd.s32 $0x10400, s5  }
0x9: {  	s15 =	sor.u32 $0x1C02, s15;
	s4 =	smul.u32 $0x4F0, s4;
	s9 =	sshrl.u32 s8, $0x1  }
0xa: {  	s16 =	sshrl.u32 s31, $0x3;
	s17 =	sadd.s32 s31, s1;
	s7 =	sadd.s32 s7, s5  }
0xb: {  	s8 =	ssub.s32 s8, s9;
	s9 =	simm.s32 $0x2;
	s6 =	sadd.s32 s4, s5  }
0xc: {  	s4 =	sadd.s32 $0xB400, s5;
	s14 =	sadd.s32 $0x24000, s7;
	s7 =	smax.u32 s8, $0x1  }
0xd: {  	s8 =	sshrl.u32 @!p0 s1, $0x3;
	s5 =	sadd.s32 $0x1A200, s6;
	s6 =	sadd.s32 $0x1600, s6  }
0xe: {  	s14 =	sadd.s32 s16, s14;
	s16 =	sshrl.u32 s17, $0x3;
	s17 =	simm.s32 $0x0  }
.LBB2_1:
0xf: {  	s18 =	simm.s32 @!p0 $0x1C02  }
0x10: {  	[spmem:s8], [sflag:s18] =	dma.local @!p0 [hbm:s4], $0x4F00  }
0x11: {  	s18 =	simm.s32 @!p0 $0x2  }
0x12: {  	_ =	swait.ge @!p0 [sflag:s18], $0x4F00  }
0x13: {  	[sflag:s18] =	ssyncset.done @!p0 $0x0  }
0x14: {  	[sflag:s18] =	ssyncadd.s32 @!p0 $0xFFFFB100  }
0x15: {  	[tilespmem:s2], [sflag:$0x2] =	stream.linear.gather [hbm4b:s5+s2], $0x2780, $0x38;
	[tilespmem:$0x7E80] =	vst v63  }
0x16: {  	_ =	swait.ge [sflag:s9], $0x2780  }
0x17: {  	[sflag:s9] =	ssyncset.done $0x0  }
0x18: {  	[sflag:s9] =	ssyncadd.s32 $0xFFFFD880  }
0x19: {  	[tilespmem:s10], [sflag:$0x2] =	stream.linear.gather [hbm4b:s6+s2], $0x2780, $0x38;
	[tilespmem:$0x7E80] =	vst v63  }
0x1a: {  	_ =	swait.ge [sflag:s9], $0x2780  }
0x1b: {  	[sflag:s9] =	ssyncset.done $0x0  }
0x1c: {  	[sflag:s9] =	ssyncadd.s32 $0xFFFFD880  }
0x1d: {  	s30 =	simm.s32 $0x0;
	[bflag:$0x0] =	sbarrier.arrive $0xFFFF  }
0x1e: {  	[tilespmem:s12], [sflag:$0x1] =	stream.indirect.gather [hbm4b:s3+s11], $0x10, s30, s11, $0xb8;
	[tilespmem:$0x7E80] =	vst v63  }
0x1f: {  	_ =	swait.ge [sflag:s13], $0x800  }
0x20: {  	[sflag:s13] =	ssyncset.done $0x0  }
0x21: {  	s31 =	simm.s32 $0x2780;
	[sflag:s13] =	ssyncadd.s32 $0xFFFFF800  }
0x22: {  	[spmem:s1] =	stream.indirect.scatter.add.f32 [tilespmem:s12], [sflag:$0x2], $0x10, s31, s11, $0xb8;
	[tilespmem:$0x7E80] =	vst v63  }
0x23: {  	_ =	swait.ge [sflag:s9], $0x800  }
0x24: {  	s19 =	simm.s32 $0x400;
	s18 =	simm.s32 $0x200;
	[sflag:s9] =	ssyncset.done $0x0  }
.LBB2_2:
0x25: {  	s20 =	sshra.s32 s18, $0x2  }
0x26: {  	[sflag:s9] =	ssyncadd.s32 $0xFFFFF800;
	s18 =	smov.u32 s19;
	s21 =	sadd.s32 $0x200, s19  }
0x27: {  	[tilespmem:s12], [sflag:$0x1] =	stream.indirect.gather [hbm4b:s3+s11], $0x10, s20, s11, $0xb8;
	[tilespmem:$0x7E80] =	vst v63  }
0x28: {  	p1 =	sne.s32 s19, $0x9C00;
	_ =	swait.ge [sflag:s13], $0x800  }
.Ltmp0:
0x29: {  	[sflag:s13] =	ssyncset.done $0x0;
	(pc) =	sbr.rel @p1 .LBB2_2-.Ltmp0, $4  }
0x2a: {  	s19 =	sadd.s32 $0x2780, s20;
	[sflag:s13] =	ssyncadd.s32 $0xFFFFF800  }
0x2b: {  	[spmem:s1] =	stream.indirect.scatter.add.f32 [tilespmem:s12], [sflag:$0x2], $0x10, s19, s11, $0xb8;
	[tilespmem:$0x7E80] =	vst v63  }
0x2c: {  	_ =	swait.ge [sflag:s9], $0x800  }
0x2d: {  	s19 =	smov.u32 s21;
	[sflag:s9] =	ssyncset.done $0x0  }
0x2e: {  	s18 =	sshra.s32 s18, $0x2;
	[sflag:s9] =	ssyncadd.s32 $0xFFFFF800  }
0x2f: {  	[tilespmem:s12], [sflag:$0x1] =	stream.indirect.gather [hbm4b:s3+s11], $0x10, s18, s11, $0xb8;
	[tilespmem:$0x7E80] =	vst v63  }
0x30: {  	_ =	swait.ge [sflag:s13], $0x800  }
0x31: {  	[sflag:s13] =	ssyncset.done $0x0  }
0x32: {  	s18 =	sadd.s32 $0x2780, s18;
	[sflag:s13] =	ssyncadd.s32 $0xFFFFF800  }
0x33: {  	[spmem:s1] =	stream.indirect.scatter.add.f32 [tilespmem:s12], [sflag:$0x2], $0x10, s18, s11, $0xb8;
	[tilespmem:$0x7E80] =	vst v63  }
0x34: {  	_ =	swait.ge [sflag:s9], $0x800  }
0x35: {  	s17 =	sadd.s32 $0x1, s17;
	[sflag:s9] =	ssyncset.done $0x0  }
0x36: {  	p1 =	sne.s32 s17, s7;
	[sflag:s9] =	ssyncadd.s32 $0xFFFFF800  }
.Ltmp1:
0x37: {  	[bflag:$0x0] =	sbarrier.arrive $0xFFFF;
	(pc) =	sbr.rel @p1 .LBB2_1-.Ltmp1, $4  }
0x38: {  	[hbm:s14], [sflag:s15] =	dma.local [spmem:s16], $0x4F0  }
0x39: {  	_ =	swait.ge [sflag:s9], $0x4F0  }
0x3a: {  	[sflag:s9] =	ssyncset.done $0x0  }
0x3b: {  	[sflag:s9] =	ssyncadd.s32 $0xFFFFFB10  }
0x3c: {  	_ =	sfence.sel $0x180000  }
0x3d: {  	[bflag:$0x0] =	sbarrier.arrive $0xFFFF  }
0x3e: {  	_ =	strace $0x9000004A  }
0x3f: {  	s0 =	sadd.s32 @!p0 $0x100000, s0;
	[bflag:$0x2] =	sbarrier.arrive $0xFFFF  }
0x40: {  	[sflag:s0] =	ssyncadd.tile.s32 @!p0 $0x1;
	_ =	shalt  }
.Lfunc_end2:
_tile_overlayer_lowered:
.L_overlay_start_2:
0x41: {  	(tag) =	ssettag $0x2  }
0x42: {  	s0 =	rddreg [dreg:$0x0];
	s2 =	stileid.u32  }
0x43: {  	s1 =	rddreg [dreg:$0x1];
	p0 =	sne.s32 s2, $0x0  }
0x44: {  	s3 =	rddreg [dreg:$0x2];
	[bflag:$0x3] =	sbarrier.arrive $0xFFFF;
	s2 =	simm.s32 @!p0 $0x1C02  }
0x45: {  	[timem:s3], [sflag:s2] =	dma.local @!p0 [hbm:s0], s1  }
0x46: {  	s0 =	simm.s32 @!p0 $0x2  }
0x47: {  	_ =	swait.ge @!p0 [sflag:s0], s1  }
0x48: {  	s1 =	ssub.s32 @!p0 $0x0, s1;
	[sflag:s0] =	ssyncset.done @!p0 $0x0  }
0x49: {  	[sflag:s0] =	ssyncadd.s32 @!p0 s1  }
0x4a: {  	[bflag:$0x3] =	sbarrier.arrive $0xFFFF  }
0x4b: {  	_ =	shalt  }

// kernel: kernel.14.cloned.1.call-start
scs
__scs_entry_jumppad:
0x0: {  	(pc) =	sbr.rel $0x88, $3  }
0x1: {  	(tag) =	ssettag $0x0;
	lr =	simm.s32 $0x1  }
0x2: {  	[smem:$0x3F9B] =	sst lr;
	_ =	strace $0xD0000000  }
0x3: {  	_ = 	snop  }
0x4: {  	_ = 	snop  }
0x5: {  	_ = 	snop  }
0x6: {  	_ = 	snop  }
0x7: {  	_ = 	snop  }
__scs_overlays_trampoline_lowered:
0x8: {  	[smem:$0x3FAA] =	sst s0  }
0x9: {  	[smem:$0x3FAB] =	sst s1  }
0xa: {  	[smem:$0x3FAC] =	sst s2  }
0xb: {  	[smem:$0x3FAD] =	sst s3  }
0xc: {  	[smem:$0x3FAE] =	sst s4  }
0xd: {  	[smem:$0x3FAF] =	sst s5  }
0xe: {  	[smem:$0x3FB0] =	sst s6  }
0xf: {  	[smem:$0x3FB1] =	sst s7  }
0x10: {  	[smem:$0x3FB2] =	sst s8  }
0x11: {  	[smem:$0x3FB3] =	sst s9;
	s0 =	simm.s32 @!p0 $0x0  }
0x12: {  	s1 =	sld [smem:$0x3F99];
	s0 =	simm.s32 @p0 $0x1  }
0x13: {  	[smem:$0x3FB4] =	sst s0;
	s0 =	simm.s32 @!p1 $0x0  }
0x14: {  	s2 =	sld [smem:$0x3F98];
	s0 =	simm.s32 @p1 $0x1  }
0x15: {  	[smem:$0x3FB5] =	sst s0;
	s0 =	simm.s32 @!p2 $0x0  }
0x16: {  	s3 =	sld [smem:$0x3FDB];
	s0 =	simm.s32 @p2 $0x1  }
0x17: {  	s4 =	simm.s32 $0x1BF5;
	[smem:$0x3FB7] =	sst s0  }
0x18: {  	s0 =	sld [smem:$0x3F9A];
	_ =	swait.ge [sflag:s4], $0x0  }
0x19: {  	s7 =	sld [smem:$0x3F9B]  }
0x1a: {  	s8 =	sadd.s32 $0xFFFFE003, lr  }
0x1b: {  	s9 =	sadd.s32 $0xFFFFFEF7, lr;
	s5 =	simm.s32 $0xFFFFFFFF;
	p2 =	slt.u32 s8, $0xFFFFF086  }
0x1c: {  	p1 =	slt.u32 s9, $0xF7A;
	s5 =	simm.s32 @!p2 $0x0  }
0x1d: {  	s5 =	simm.s32 @p1 $0x1;
	p0 =	seq.s32 s7, s2  }
0x1e: {  	s7 =	smul.u32 @!p0 $0xF7A, s2;
	p2 =	seq.s32 @!p0 s5, $0x0  }
0x1f: {  	s9 =	smul.u32 $0xF7A, s1;
	s8 =	simm.s32 @!p0 $0x1BF5;
	p2 =	por !p2, p0  }
0x20: {  	[sflag:s8] =	ssyncset.s32 @!p0 $0xFFFFF086;
	s6 =	sadd.s32 @!p0 s3, s7;
	s7 =	simm.s32 @!p0 $0x108  }
0x21: {  	s3 =	sadd.s32 s3, s9;
	s6 =	sadd.s32 @!p0 $0x88, s6;
	s7 =	simm.s32 @p2 $0x1082  }
0x22: {  	[simem:s7], [sflag:s8] =	dma.local @!p0 [hbm:s6], $0xF7A  }
0x23: {  	s9 =	sor.u32 $0xD0000000, s2;
	s6 =	simm.s32 $0x108;
	_ =	swait.ge @!p0 [sflag:s8], $0x0  }
0x24: {  	s3 =	sadd.s32 $0x88, s3;
	s6 =	simm.s32 @!p1 $0x1082;
	[sflag:s4] =	ssyncset.s32 $0xFFFFF086  }
0x25: {  	[simem:s6], [sflag:s4] =	dma.local [hbm:s3], $0xF7A  }
0x26: {  	[smem:$0x3F9B] =	sst s1;
	(tag) =	ssettag s2;
	_ =	strace s9  }
0x27: {  	s1 =	sld [smem:$0x3FAB]  }
0x28: {  	s2 =	sld [smem:$0x3FAC]  }
0x29: {  	s4 =	sld [smem:$0x3FAE]  }
0x2a: {  	p0 =	seq.s32 s5, $0x0;
	s5 =	sld [smem:$0x3FAF]  }
0x2b: {  	s6 =	sld [smem:$0x3FB0]  }
0x2c: {  	s7 =	sld [smem:$0x3FB1]  }
0x2d: {  	s3 =	simm.s32 $0x108;
	s8 =	sld [smem:$0x3FB2]  }
0x2e: {  	s3 =	simm.s32 @!p0 $0x1082;
	s9 =	sld [smem:$0x3FB3]  }
0x2f: {  	lr =	sadd.s32 s0, s3;
	s0 =	sld [smem:$0x3FAA]  }
0x30: {  	s3 =	sld [smem:$0x3FAD]  }
0x31: {  	[smem:$0x3FB6] =	sst s10  }
0x32: {  	s10 =	sld [smem:$0x3FB4];
	_ =	sdelay $0x3  }
0x33: {  	p0 =	seq.s32 s10, $0x1;
	s10 =	sld [smem:$0x3FB6];
	_ =	sdelay $0x3  }
0x34: {  	[smem:$0x3FB6] =	sst s10  }
0x35: {  	s10 =	sld [smem:$0x3FB5];
	_ =	sdelay $0x3  }
0x36: {  	p1 =	seq.s32 s10, $0x1;
	s10 =	sld [smem:$0x3FB6];
	_ =	sdelay $0x3  }
0x37: {  	[smem:$0x3FB6] =	sst s10  }
0x38: {  	s10 =	sld [smem:$0x3FB7]  }
0x39: {  	_ = 	snop;
	(pc) =	sbr.ind lr, $3  }
0x3a: {  	_ = 	snop  }
0x3b: {  	_ = 	snop  }
0x3c: {  	p2 =	seq.s32 s10, $0x1;
	s10 =	sld [smem:$0x3FB6]  }
0x3d: {  	_ =	shalt  }
0x3e: {  	_ =	shalt  }
0x3f: {  	_ =	shalt  }
0x40: {  	_ =	shalt  }
0x41: {  	_ =	shalt  }
0x42: {  	_ =	shalt  }
0x43: {  	_ =	shalt  }
0x44: {  	_ =	shalt  }
0x45: {  	_ =	shalt  }
0x46: {  	_ =	shalt  }
0x47: {  	_ =	shalt  }
0x48: {  	_ =	shalt  }
0x49: {  	_ =	shalt  }
0x4a: {  	_ =	shalt  }
0x4b: {  	_ =	shalt  }
0x4c: {  	_ =	shalt  }
0x4d: {  	_ =	shalt  }
0x4e: {  	_ =	shalt  }
0x4f: {  	_ =	shalt  }
0x50: {  	_ =	shalt  }
0x51: {  	_ =	shalt  }
0x52: {  	_ =	shalt  }
0x53: {  	_ =	shalt  }
0x54: {  	_ =	shalt  }
0x55: {  	_ =	shalt  }
0x56: {  	_ =	shalt  }
0x57: {  	_ =	shalt  }
0x58: {  	_ =	shalt  }
0x59: {  	_ =	shalt  }
0x5a: {  	_ =	shalt  }
0x5b: {  	_ =	shalt  }
0x5c: {  	_ =	shalt  }
0x5d: {  	_ =	shalt  }
0x5e: {  	_ =	shalt  }
0x5f: {  	_ =	shalt  }
0x60: {  	_ =	shalt  }
0x61: {  	_ =	shalt  }
0x62: {  	_ =	shalt  }
0x63: {  	_ =	shalt  }
0x64: {  	_ =	shalt  }
0x65: {  	_ =	shalt  }
0x66: {  	_ =	shalt  }
0x67: {  	_ =	shalt  }
0x68: {  	_ =	shalt  }
0x69: {  	_ =	shalt  }
0x6a: {  	_ =	shalt  }
0x6b: {  	_ =	shalt  }
0x6c: {  	_ =	shalt  }
0x6d: {  	_ =	shalt  }
0x6e: {  	_ =	shalt  }
0x6f: {  	_ =	shalt  }
0x70: {  	_ =	shalt  }
0x71: {  	_ =	shalt  }
0x72: {  	_ =	shalt  }
0x73: {  	_ =	shalt  }
0x74: {  	_ =	shalt  }
0x75: {  	_ =	shalt  }
0x76: {  	_ =	shalt  }
0x77: {  	_ =	shalt  }
0x78: {  	_ =	shalt  }
0x79: {  	_ =	shalt  }
0x7a: {  	_ =	shalt  }
0x7b: {  	_ =	shalt  }
0x7c: {  	_ =	shalt  }
0x7d: {  	_ =	shalt  }
0x7e: {  	_ =	shalt  }
0x7f: {  	_ =	shalt  }
0x80: {  	_ =	shalt  }
0x81: {  	_ =	shalt  }
0x82: {  	_ =	shalt  }
0x83: {  	_ =	shalt  }
0x84: {  	_ =	shalt  }
0x85: {  	_ =	shalt  }
0x86: {  	_ =	shalt  }
0x87: {  	_ =	shalt  }
.Lfunc_end0:
.L_simem_size_0:
called_computation.2_lowered:
.L_overlay_start_0:
0x88: {  	s2 =	sld [smem:$0x3FD9]  }
0x89: {  	s3 =	sld [smem:$0x3FFE];
	_ =	sdelay $0x1  }
0x8a: {  	s1 =	srdreg.scid  }
0x8b: {  	s0 =	sand.u32 $0x1, s1  }
0x8c: {  	s16 =	sshll.u32 s0, $0xA;
	s2 =	sadd.s32 s3, s2  }
0x8d: {  	s2 =	sadd.s32 s2, s16  }
0x8e: {  	[smem:$0x3FC2] =	sst s2  }
0x8f: {  	_ = 	snop  }
0x90: {  	(tm) =	ssettm $0x1  }
0x91: {  	s17 =	sld [smem:$0x3FFB];
	_ =	sdelay $0x3  }
0x92: {  	_ =	strace s17  }
0x93: {  	s2 =	sld [smem:$0x3FFC];
	_ =	sdelay $0x3  }
0x94: {  	_ =	strace s2  }
0x95: {  	s2 =	sld [smem:$0x3FFD];
	_ =	sdelay $0x3  }
0x96: {  	_ =	strace s2  }
0x97: {  	_ =	strace $0x8FFFFFFF  }
0x98: {  	s18 =	sld [smem:$0x3FDB];
	_ =	sdelay $0x1  }
0x99: {  	s19 =	simm.s32 $_scs_section_size  }
0x9a: {  	s4 =	simm.s32 $_size__tile_overlayer_lowered;
	s5 =	simm.s32 $_tile_overlayer_lowered  }
0x9b: {  	s22 =	simm.s32 $0x1BFF;
	s21 =	sshll.u32 s5, $0x1;
	s2 =	sadd.s32 s19, s18  }
0x9c: {  	s6 =	simm.s32 $0x0;
	s20 =	sshll.u32 s4, $0x1;
	s4 =	sadd.s32 s21, s2  }
0x9d: {  	[timem:s6], [sflag:s22] =	dma.local [hbm:s4], s20  }
0x9e: {  	_ =	swait.ge [sflag:s22], s20  }
0x9f: {  	s3 =	ssub.s32 $0x0, s20;
	[sflag:s22] =	ssyncset.done $0x0  }
0xa0: {  	[sflag:s22] =	ssyncadd.s32 s3;
	_ =	sdelay $0x1  }
0xa1: {  	s23 =	simm.s32 $0x1B8B  }
0xa2: {  	_ =	swait.ge [sflag:s23], $0x1  }
0xa3: {  	[sflag:s23] =	ssyncset.done $0x0  }
0xa4: {  	s25 =	simm.s32 $0x1B8E;
	s24 =	sld [smem:$0x3FFE];
	[sflag:s23] =	ssyncadd.s32 $0xFFFFFFFF  }
0xa5: {  	s26 =	simm.s32 $execute0_lowered;
	[smem:$0x3FD2] =	sst s25  }
0xa6: {  	s4 =	sshll.u32 s26, $0x1;
	_ =	strace $0x8000004C;
	[dreg:$0x1] =	wrdreg $0xFFFFFFFF  }
0xa7: {  	s28 =	simm.s32 $_size_execute0_lowered;
	s2 =	sadd.s32 s2, s4;
	[dreg:$0x0] =	wrdreg $0x0  }
0xa8: {  	s4 =	sshll.u32 s28, $0x1;
	[dreg:$0x2] =	wrdreg s2  }
0xa9: {  	[dreg:$0x3] =	wrdreg s4  }
0xaa: {  	[dreg:$0x4] =	wrdreg $0xC0  }
0xab: {  	_ =	task [dreg:s6], $0x5FFFF  }
0xac: {  	[dreg:$0x1] =	wrdreg $0xFFFFFFFF  }
0xad: {  	[dreg:$0x0] =	wrdreg $0x60  }
0xae: {  	[dreg:$0x2] =	wrdreg s24  }
0xaf: {  	[dreg:$0x3] =	wrdreg $0x57000  }
0xb0: {  	[dreg:$0x4] =	wrdreg $0x9  }
0xb1: {  	_ =	task.clear_ibuf [dreg:s6], $0x5FFFF;
	_ =	strace $0x9000004C  }
0xb2: {  	s29 =	simm.s32 $0x9;
	_ =	strace $0x8000004E  }
0xb3: {  	_ =	swait.ge [sflag:s29], $0x1  }
0xb4: {  	[sflag:s29] =	ssyncadd.s32 $0xFFFFFFFF  }
0xb5: {  	_ =	strace $0x9000004E  }
0xb6: {  	_ =	sfence  }
0xb7: {  	s30 =	sld [smem:$0x0];
	_ =	sdelay $0x2  }
0xb8: {  	s31 =	sshll.u32 s1, $0xD;
	s1 =	sshrl.u32 s1, $0x2  }
0xb9: {  	s3 =	sand.u32 $0x4000, s31;
	s1 =	sadd.s32 s1, s30  }
0xba: {  	s0 =	sor.u32 s3, s0;
	s1 =	sshll.u32 s1, $0x11  }
0xbb: {  	s0 =	sor.u32 s1, s0  }
0xbc: {  	s0 =	sadd.s32 $0x8F2B, s0  }
0xbd: {  	[sflag:s0] =	ssyncadd.remote.s32 $0x1  }
0xbe: {  	_ =	sfence.sel $0xFFFF  }
0xbf: {  	[dreg:$0x0] =	wrdreg $0xFFFFFFFF;
	(pc) =	sbr.abs _section_cstart, $3  }
0xc0: {  	[dreg:$0x1] =	wrdreg $0xFFFFFFFF  }
0xc1: {  	_ =	task.clear_ibuf [dreg:s6], $0x2FFFF;
	_ =	strace $0x9FFFFFFF  }
0xc2: {  	(tm) =	ssettm $0x7FFFFFFF  }
0xc3: {  	_ =	shalt  }
tec
execute0_lowered:
.L_overlay_start_1:
0x0: {  	(tag) =	ssettag $0x1  }
0x1: {  	s5 =	rddreg [dreg:$0x0]  }
0x2: {  	s0 =	srdreg.scid;
	s15 =	stileid.u32  }
0x3: {  	s1 =	rddreg [dreg:$0x1];
	s2 =	simm.s32 $0x0;
	s10 =	simm.s32 $0x2780  }
0x4: {  	s11 =	simm.s32 $0x80;
	s12 =	simm.s32 $0x4F00;
	s13 =	simm.s32 $0x1  }
0x5: {  	s3 =	sand.u32 $0x1, s0;
	s4 =	sshll.u32 s15, $0x1;
	s0 =	rddreg [dreg:$0x2]  }
0x6: {  	[smem:$0x7FF] =	sst s2;
	s31 =	smul.u32 $0x2780, s15;
	p0 =	sne.s32 s15, $0x0  }
0x7: {  	s15 =	sshll.u32 s15, $0x6;
	s4 =	sor.u32 s3, s4;
	_ =	strace $0x8000004D  }
0x8: {  	s7 =	smul.u32 $0x4F00, s3;
	s8 =	ssub.s32 $0x2, s3;
	s3 =	sadd.s32 $0x10400, s5  }
0x9: {  	s15 =	sor.u32 $0x1C02, s15;
	s4 =	smul.u32 $0x4F0, s4;
	s9 =	sshrl.u32 s8, $0x1  }
0xa: {  	s16 =	sshrl.u32 s31, $0x3;
	s17 =	sadd.s32 s31, s1;
	s7 =	sadd.s32 s7, s5  }
0xb: {  	s8 =	ssub.s32 s8, s9;
	s9 =	simm.s32 $0x2;
	s6 =	sadd.s32 s4, s5  }
0xc: {  	s4 =	sadd.s32 $0xB400, s5;
	s14 =	sadd.s32 $0x24000, s7;
	s7 =	smax.u32 s8, $0x1  }
0xd: {  	s8 =	sshrl.u32 @!p0 s1, $0x3;
	s5 =	sadd.s32 $0x1A200, s6;
	s6 =	sadd.s32 $0x1600, s6  }
0xe: {  	s14 =	sadd.s32 s16, s14;
	s16 =	sshrl.u32 s17, $0x3;
	s17 =	simm.s32 $0x0  }
.LBB2_1:
0xf: {  	s18 =	simm.s32 @!p0 $0x1C02  }
0x10: {  	[spmem:s8], [sflag:s18] =	dma.local @!p0 [hbm:s4], $0x4F00  }
0x11: {  	s18 =	simm.s32 @!p0 $0x2  }
0x12: {  	_ =	swait.ge @!p0 [sflag:s18], $0x4F00  }
0x13: {  	[sflag:s18] =	ssyncset.done @!p0 $0x0  }
0x14: {  	[sflag:s18] =	ssyncadd.s32 @!p0 $0xFFFFB100  }
0x15: {  	[tilespmem:s2], [sflag:$0x2] =	stream.linear.gather [hbm4b:s5+s2], $0x2780, $0x38;
	[tilespmem:$0x7E80] =	vst v63  }
0x16: {  	_ =	swait.ge [sflag:s9], $0x2780  }
0x17: {  	[sflag:s9] =	ssyncset.done $0x0  }
0x18: {  	[sflag:s9] =	ssyncadd.s32 $0xFFFFD880  }
0x19: {  	[tilespmem:s10], [sflag:$0x2] =	stream.linear.gather [hbm4b:s6+s2], $0x2780, $0x38;
	[tilespmem:$0x7E80] =	vst v63  }
0x1a: {  	_ =	swait.ge [sflag:s9], $0x2780  }
0x1b: {  	[sflag:s9] =	ssyncset.done $0x0  }
0x1c: {  	[sflag:s9] =	ssyncadd.s32 $0xFFFFD880  }
0x1d: {  	s30 =	simm.s32 $0x0;
	[bflag:$0x0] =	sbarrier.arrive $0xFFFF  }
0x1e: {  	[tilespmem:s12], [sflag:$0x1] =	stream.indirect.gather [hbm4b:s3+s11], $0x10, s30, s11, $0xb8;
	[tilespmem:$0x7E80] =	vst v63  }
0x1f: {  	_ =	swait.ge [sflag:s13], $0x800  }
0x20: {  	[sflag:s13] =	ssyncset.done $0x0  }
0x21: {  	s31 =	simm.s32 $0x2780;
	[sflag:s13] =	ssyncadd.s32 $0xFFFFF800  }
0x22: {  	[spmem:s1] =	stream.indirect.scatter.add.f32 [tilespmem:s12], [sflag:$0x2], $0x10, s31, s11, $0xb8;
	[tilespmem:$0x7E80] =	vst v63  }
0x23: {  	_ =	swait.ge [sflag:s9], $0x800  }
0x24: {  	s19 =	simm.s32 $0x400;
	s18 =	simm.s32 $0x200;
	[sflag:s9] =	ssyncset.done $0x0  }
.LBB2_2:
0x25: {  	s20 =	sshra.s32 s18, $0x2  }
0x26: {  	[sflag:s9] =	ssyncadd.s32 $0xFFFFF800;
	s18 =	smov.u32 s19;
	s21 =	sadd.s32 $0x200, s19  }
0x27: {  	[tilespmem:s12], [sflag:$0x1] =	stream.indirect.gather [hbm4b:s3+s11], $0x10, s20, s11, $0xb8;
	[tilespmem:$0x7E80] =	vst v63  }
0x28: {  	p1 =	sne.s32 s19, $0x9C00;
	_ =	swait.ge [sflag:s13], $0x800  }
.Ltmp0:
0x29: {  	[sflag:s13] =	ssyncset.done $0x0;
	(pc) =	sbr.rel @p1 .LBB2_2-.Ltmp0, $4  }
0x2a: {  	s19 =	sadd.s32 $0x2780, s20;
	[sflag:s13] =	ssyncadd.s32 $0xFFFFF800  }
0x2b: {  	[spmem:s1] =	stream.indirect.scatter.add.f32 [tilespmem:s12], [sflag:$0x2], $0x10, s19, s11, $0xb8;
	[tilespmem:$0x7E80] =	vst v63  }
0x2c: {  	_ =	swait.ge [sflag:s9], $0x800  }
0x2d: {  	s19 =	smov.u32 s21;
	[sflag:s9] =	ssyncset.done $0x0  }
0x2e: {  	s18 =	sshra.s32 s18, $0x2;
	[sflag:s9] =	ssyncadd.s32 $0xFFFFF800  }
0x2f: {  	[tilespmem:s12], [sflag:$0x1] =	stream.indirect.gather [hbm4b:s3+s11], $0x10, s18, s11, $0xb8;
	[tilespmem:$0x7E80] =	vst v63  }
0x30: {  	_ =	swait.ge [sflag:s13], $0x800  }
0x31: {  	[sflag:s13] =	ssyncset.done $0x0  }
0x32: {  	s18 =	sadd.s32 $0x2780, s18;
	[sflag:s13] =	ssyncadd.s32 $0xFFFFF800  }
0x33: {  	[spmem:s1] =	stream.indirect.scatter.add.f32 [tilespmem:s12], [sflag:$0x2], $0x10, s18, s11, $0xb8;
	[tilespmem:$0x7E80] =	vst v63  }
0x34: {  	_ =	swait.ge [sflag:s9], $0x800  }
0x35: {  	s17 =	sadd.s32 $0x1, s17;
	[sflag:s9] =	ssyncset.done $0x0  }
0x36: {  	p1 =	sne.s32 s17, s7;
	[sflag:s9] =	ssyncadd.s32 $0xFFFFF800  }
.Ltmp1:
0x37: {  	[bflag:$0x0] =	sbarrier.arrive $0xFFFF;
	(pc) =	sbr.rel @p1 .LBB2_1-.Ltmp1, $4  }
0x38: {  	[hbm:s14], [sflag:s15] =	dma.local [spmem:s16], $0x4F0  }
0x39: {  	_ =	swait.ge [sflag:s9], $0x4F0  }
0x3a: {  	[sflag:s9] =	ssyncset.done $0x0  }
0x3b: {  	[sflag:s9] =	ssyncadd.s32 $0xFFFFFB10  }
0x3c: {  	_ =	sfence.sel $0x180000  }
0x3d: {  	[bflag:$0x0] =	sbarrier.arrive $0xFFFF  }
0x3e: {  	_ =	strace $0x9000004D  }
0x3f: {  	s0 =	sadd.s32 @!p0 $0x100000, s0;
	[bflag:$0x2] =	sbarrier.arrive $0xFFFF  }
0x40: {  	[sflag:s0] =	ssyncadd.tile.s32 @!p0 $0x1;
	_ =	shalt  }
.Lfunc_end2:
_tile_overlayer_lowered:
.L_overlay_start_2:
0x41: {  	(tag) =	ssettag $0x2  }
0x42: {  	s0 =	rddreg [dreg:$0x0];
	s2 =	stileid.u32  }
0x43: {  	s1 =	rddreg [dreg:$0x1];
	p0 =	sne.s32 s2, $0x0  }
0x44: {  	s3 =	rddreg [dreg:$0x2];
	[bflag:$0x3] =	sbarrier.arrive $0xFFFF;
	s2 =	simm.s32 @!p0 $0x1C02  }
0x45: {  	[timem:s3], [sflag:s2] =	dma.local @!p0 [hbm:s0], s1  }
0x46: {  	s0 =	simm.s32 @!p0 $0x2  }
0x47: {  	_ =	swait.ge @!p0 [sflag:s0], s1  }
0x48: {  	s1 =	ssub.s32 @!p0 $0x0, s1;
	[sflag:s0] =	ssyncset.done @!p0 $0x0  }
0x49: {  	[sflag:s0] =	ssyncadd.s32 @!p0 s1  }
0x4a: {  	[bflag:$0x3] =	sbarrier.arrive $0xFFFF  }
0x4b: {  	_ =	shalt  }

// kernel: kernel.8.cloned.1.call-start
scs
__scs_entry_jumppad:
0x0: {  	(pc) =	sbr.rel $0x88, $3  }
0x1: {  	(tag) =	ssettag $0x0;
	lr =	simm.s32 $0x1  }
0x2: {  	[smem:$0x3F9B] =	sst lr;
	_ =	strace $0xD0000000  }
0x3: {  	_ = 	snop  }
0x4: {  	_ = 	snop  }
0x5: {  	_ = 	snop  }
0x6: {  	_ = 	snop  }
0x7: {  	_ = 	snop  }
__scs_overlays_trampoline_lowered:
0x8: {  	[smem:$0x3FAA] =	sst s0  }
0x9: {  	[smem:$0x3FAB] =	sst s1  }
0xa: {  	[smem:$0x3FAC] =	sst s2  }
0xb: {  	[smem:$0x3FAD] =	sst s3  }
0xc: {  	[smem:$0x3FAE] =	sst s4  }
0xd: {  	[smem:$0x3FAF] =	sst s5  }
0xe: {  	[smem:$0x3FB0] =	sst s6  }
0xf: {  	[smem:$0x3FB1] =	sst s7  }
0x10: {  	[smem:$0x3FB2] =	sst s8  }
0x11: {  	[smem:$0x3FB3] =	sst s9;
	s0 =	simm.s32 @!p0 $0x0  }
0x12: {  	s1 =	sld [smem:$0x3F99];
	s0 =	simm.s32 @p0 $0x1  }
0x13: {  	[smem:$0x3FB4] =	sst s0;
	s0 =	simm.s32 @!p1 $0x0  }
0x14: {  	s2 =	sld [smem:$0x3F98];
	s0 =	simm.s32 @p1 $0x1  }
0x15: {  	[smem:$0x3FB5] =	sst s0;
	s0 =	simm.s32 @!p2 $0x0  }
0x16: {  	s3 =	sld [smem:$0x3FDB];
	s0 =	simm.s32 @p2 $0x1  }
0x17: {  	s4 =	simm.s32 $0x1BF5;
	[smem:$0x3FB7] =	sst s0  }
0x18: {  	s0 =	sld [smem:$0x3F9A];
	_ =	swait.ge [sflag:s4], $0x0  }
0x19: {  	s7 =	sld [smem:$0x3F9B]  }
0x1a: {  	s8 =	sadd.s32 $0xFFFFE003, lr  }
0x1b: {  	s9 =	sadd.s32 $0xFFFFFEF7, lr;
	s5 =	simm.s32 $0xFFFFFFFF;
	p2 =	slt.u32 s8, $0xFFFFF086  }
0x1c: {  	p1 =	slt.u32 s9, $0xF7A;
	s5 =	simm.s32 @!p2 $0x0  }
0x1d: {  	s5 =	simm.s32 @p1 $0x1;
	p0 =	seq.s32 s7, s2  }
0x1e: {  	s7 =	smul.u32 @!p0 $0xF7A, s2;
	p2 =	seq.s32 @!p0 s5, $0x0  }
0x1f: {  	s9 =	smul.u32 $0xF7A, s1;
	s8 =	simm.s32 @!p0 $0x1BF5;
	p2 =	por !p2, p0  }
0x20: {  	[sflag:s8] =	ssyncset.s32 @!p0 $0xFFFFF086;
	s6 =	sadd.s32 @!p0 s3, s7;
	s7 =	simm.s32 @!p0 $0x108  }
0x21: {  	s3 =	sadd.s32 s3, s9;
	s6 =	sadd.s32 @!p0 $0x88, s6;
	s7 =	simm.s32 @p2 $0x1082  }
0x22: {  	[simem:s7], [sflag:s8] =	dma.local @!p0 [hbm:s6], $0xF7A  }
0x23: {  	s9 =	sor.u32 $0xD0000000, s2;
	s6 =	simm.s32 $0x108;
	_ =	swait.ge @!p0 [sflag:s8], $0x0  }
0x24: {  	s3 =	sadd.s32 $0x88, s3;
	s6 =	simm.s32 @!p1 $0x1082;
	[sflag:s4] =	ssyncset.s32 $0xFFFFF086  }
0x25: {  	[simem:s6], [sflag:s4] =	dma.local [hbm:s3], $0xF7A  }
0x26: {  	[smem:$0x3F9B] =	sst s1;
	(tag) =	ssettag s2;
	_ =	strace s9  }
0x27: {  	s1 =	sld [smem:$0x3FAB]  }
0x28: {  	s2 =	sld [smem:$0x3FAC]  }
0x29: {  	s4 =	sld [smem:$0x3FAE]  }
0x2a: {  	p0 =	seq.s32 s5, $0x0;
	s5 =	sld [smem:$0x3FAF]  }
0x2b: {  	s6 =	sld [smem:$0x3FB0]  }
0x2c: {  	s7 =	sld [smem:$0x3FB1]  }
0x2d: {  	s3 =	simm.s32 $0x108;
	s8 =	sld [smem:$0x3FB2]  }
0x2e: {  	s3 =	simm.s32 @!p0 $0x1082;
	s9 =	sld [smem:$0x3FB3]  }
0x2f: {  	lr =	sadd.s32 s0, s3;
	s0 =	sld [smem:$0x3FAA]  }
0x30: {  	s3 =	sld [smem:$0x3FAD]  }
0x31: {  	[smem:$0x3FB6] =	sst s10  }
0x32: {  	s10 =	sld [smem:$0x3FB4];
	_ =	sdelay $0x3  }
0x33: {  	p0 =	seq.s32 s10, $0x1;
	s10 =	sld [smem:$0x3FB6];
	_ =	sdelay $0x3  }
0x34: {  	[smem:$0x3FB6] =	sst s10  }
0x35: {  	s10 =	sld [smem:$0x3FB5];
	_ =	sdelay $0x3  }
0x36: {  	p1 =	seq.s32 s10, $0x1;
	s10 =	sld [smem:$0x3FB6];
	_ =	sdelay $0x3  }
0x37: {  	[smem:$0x3FB6] =	sst s10  }
0x38: {  	s10 =	sld [smem:$0x3FB7]  }
0x39: {  	_ = 	snop;
	(pc) =	sbr.ind lr, $3  }
0x3a: {  	_ = 	snop  }
0x3b: {  	_ = 	snop  }
0x3c: {  	p2 =	seq.s32 s10, $0x1;
	s10 =	sld [smem:$0x3FB6]  }
0x3d: {  	_ =	shalt  }
0x3e: {  	_ =	shalt  }
0x3f: {  	_ =	shalt  }
0x40: {  	_ =	shalt  }
0x41: {  	_ =	shalt  }
0x42: {  	_ =	shalt  }
0x43: {  	_ =	shalt  }
0x44: {  	_ =	shalt  }
0x45: {  	_ =	shalt  }
0x46: {  	_ =	shalt  }
0x47: {  	_ =	shalt  }
0x48: {  	_ =	shalt  }
0x49: {  	_ =	shalt  }
0x4a: {  	_ =	shalt  }
0x4b: {  	_ =	shalt  }
0x4c: {  	_ =	shalt  }
0x4d: {  	_ =	shalt  }
0x4e: {  	_ =	shalt  }
0x4f: {  	_ =	shalt  }
0x50: {  	_ =	shalt  }
0x51: {  	_ =	shalt  }
0x52: {  	_ =	shalt  }
0x53: {  	_ =	shalt  }
0x54: {  	_ =	shalt  }
0x55: {  	_ =	shalt  }
0x56: {  	_ =	shalt  }
0x57: {  	_ =	shalt  }
0x58: {  	_ =	shalt  }
0x59: {  	_ =	shalt  }
0x5a: {  	_ =	shalt  }
0x5b: {  	_ =	shalt  }
0x5c: {  	_ =	shalt  }
0x5d: {  	_ =	shalt  }
0x5e: {  	_ =	shalt  }
0x5f: {  	_ =	shalt  }
0x60: {  	_ =	shalt  }
0x61: {  	_ =	shalt  }
0x62: {  	_ =	shalt  }
0x63: {  	_ =	shalt  }
0x64: {  	_ =	shalt  }
0x65: {  	_ =	shalt  }
0x66: {  	_ =	shalt  }
0x67: {  	_ =	shalt  }
0x68: {  	_ =	shalt  }
0x69: {  	_ =	shalt  }
0x6a: {  	_ =	shalt  }
0x6b: {  	_ =	shalt  }
0x6c: {  	_ =	shalt  }
0x6d: {  	_ =	shalt  }
0x6e: {  	_ =	shalt  }
0x6f: {  	_ =	shalt  }
0x70: {  	_ =	shalt  }
0x71: {  	_ =	shalt  }
0x72: {  	_ =	shalt  }
0x73: {  	_ =	shalt  }
0x74: {  	_ =	shalt  }
0x75: {  	_ =	shalt  }
0x76: {  	_ =	shalt  }
0x77: {  	_ =	shalt  }
0x78: {  	_ =	shalt  }
0x79: {  	_ =	shalt  }
0x7a: {  	_ =	shalt  }
0x7b: {  	_ =	shalt  }
0x7c: {  	_ =	shalt  }
0x7d: {  	_ =	shalt  }
0x7e: {  	_ =	shalt  }
0x7f: {  	_ =	shalt  }
0x80: {  	_ =	shalt  }
0x81: {  	_ =	shalt  }
0x82: {  	_ =	shalt  }
0x83: {  	_ =	shalt  }
0x84: {  	_ =	shalt  }
0x85: {  	_ =	shalt  }
0x86: {  	_ =	shalt  }
0x87: {  	_ =	shalt  }
.Lfunc_end0:
.L_simem_size_0:
called_computation_lowered:
.L_overlay_start_0:
0x88: {  	s2 =	sld [smem:$0x3FD9]  }
0x89: {  	s3 =	sld [smem:$0x3FFE];
	_ =	sdelay $0x1  }
0x8a: {  	s1 =	srdreg.scid  }
0x8b: {  	s0 =	sand.u32 $0x1, s1  }
0x8c: {  	s17 =	sshll.u32 s0, $0xA;
	s2 =	sadd.s32 s3, s2  }
0x8d: {  	s2 =	sadd.s32 s2, s17  }
0x8e: {  	[smem:$0x3FC2] =	sst s2  }
0x8f: {  	_ = 	snop  }
0x90: {  	s2 =	sld [smem:$0x3FD0];
	(tm) =	ssettm $0x1  }
0x91: {  	s18 =	sld [smem:$0x3FFB];
	_ =	sdelay $0x3  }
0x92: {  	_ =	strace s18  }
0x93: {  	s3 =	sld [smem:$0x3FFC];
	_ =	sdelay $0x3  }
0x94: {  	_ =	strace s3  }
0x95: {  	s3 =	sld [smem:$0x3FFD];
	_ =	sdelay $0x3  }
0x96: {  	_ =	strace s3  }
0x97: {  	_ =	strace $0x8FFFFFFF  }
0x98: {  	s19 =	sld [smem:$0x3FDB];
	_ =	sdelay $0x1  }
0x99: {  	s4 =	simm.s32 $_scs_section_size  }
0x9a: {  	s5 =	simm.s32 $_size__tile_overlayer_lowered;
	s6 =	simm.s32 $_tile_overlayer_lowered  }
0x9b: {  	s22 =	simm.s32 $0x1BFF;
	s21 =	sshll.u32 s6, $0x1;
	s3 =	sadd.s32 s4, s19  }
0x9c: {  	s7 =	simm.s32 $0x0;
	s20 =	sshll.u32 s5, $0x1;
	s5 =	sadd.s32 s21, s3  }
0x9d: {  	[timem:s7], [sflag:s22] =	dma.local [hbm:s5], s20  }
0x9e: {  	_ =	swait.ge [sflag:s22], s20  }
0x9f: {  	s4 =	ssub.s32 $0x0, s20;
	[sflag:s22] =	ssyncset.done $0x0  }
0xa0: {  	[sflag:s22] =	ssyncadd.s32 s4;
	_ =	sdelay $0x1  }
0xa1: {  	s23 =	simm.s32 $0x1B8B  }
0xa2: {  	_ =	swait.ge [sflag:s23], $0x1  }
0xa3: {  	[sflag:s23] =	ssyncset.done $0x0  }
0xa4: {  	s25 =	simm.s32 $0x1B8E;
	s24 =	sld [smem:$0x3FFE];
	[sflag:s23] =	ssyncadd.s32 $0xFFFFFFFF  }
0xa5: {  	s26 =	simm.s32 $execute0_lowered;
	[smem:$0x3FD2] =	sst s25  }
0xa6: {  	s5 =	sshll.u32 s26, $0x1;
	_ =	strace $0x80000046;
	[dreg:$0x1] =	wrdreg $0xFFFFFFFF  }
0xa7: {  	s28 =	simm.s32 $_size_execute0_lowered;
	s3 =	sadd.s32 s3, s5;
	[dreg:$0x0] =	wrdreg $0x0  }
0xa8: {  	s5 =	sshll.u32 s28, $0x1;
	[dreg:$0x2] =	wrdreg s3  }
0xa9: {  	[dreg:$0x3] =	wrdreg s5  }
0xaa: {  	[dreg:$0x4] =	wrdreg $0xC0  }
0xab: {  	_ =	task [dreg:s7], $0x5FFFF  }
0xac: {  	[dreg:$0x1] =	wrdreg $0xFFFFFFFF  }
0xad: {  	[dreg:$0x0] =	wrdreg $0x60  }
0xae: {  	[dreg:$0x2] =	wrdreg s24  }
0xaf: {  	[dreg:$0x3] =	wrdreg s2  }
0xb0: {  	[dreg:$0x4] =	wrdreg $0x2F800  }
0xb1: {  	[dreg:$0x5] =	wrdreg $0x9  }
0xb2: {  	_ =	task.clear_ibuf [dreg:s7], $0x6FFFF;
	_ =	strace $0x90000046  }
0xb3: {  	s29 =	simm.s32 $0x9;
	_ =	strace $0x80000048  }
0xb4: {  	_ =	swait.ge [sflag:s29], $0x1  }
0xb5: {  	[sflag:s29] =	ssyncadd.s32 $0xFFFFFFFF  }
0xb6: {  	_ =	strace $0x90000048  }
0xb7: {  	_ =	sfence  }
0xb8: {  	s30 =	sld [smem:$0x0];
	_ =	sdelay $0x2  }
0xb9: {  	s31 =	sshll.u32 s1, $0xD;
	s1 =	sshrl.u32 s1, $0x2  }
0xba: {  	s3 =	sand.u32 $0x4000, s31;
	s1 =	sadd.s32 s1, s30  }
0xbb: {  	s0 =	sor.u32 s3, s0;
	s1 =	sshll.u32 s1, $0x11  }
0xbc: {  	s0 =	sor.u32 s1, s0  }
0xbd: {  	s0 =	sadd.s32 $0x8F2B, s0  }
0xbe: {  	[sflag:s0] =	ssyncadd.remote.s32 $0x1  }
0xbf: {  	_ =	sfence.sel $0xFFFF  }
0xc0: {  	[dreg:$0x0] =	wrdreg $0xFFFFFFFF;
	(pc) =	sbr.abs _section_cstart, $3  }
0xc1: {  	[dreg:$0x1] =	wrdreg $0xFFFFFFFF  }
0xc2: {  	_ =	task.clear_ibuf [dreg:s7], $0x2FFFF;
	_ =	strace $0x9FFFFFFF  }
0xc3: {  	(tm) =	ssettm $0x7FFFFFFF  }
tec
execute0_lowered:
.L_overlay_start_1:
0x0: {  	(tag) =	ssettag $0x1  }
0x1: {  	s5 =	rddreg [dreg:$0x0]  }
0x2: {  	s0 =	rddreg [dreg:$0x1];
	s1 =	srdreg.scid  }
0x3: {  	s12 =	stileid.u32;
	s2 =	rddreg [dreg:$0x2];
	s3 =	simm.s32 $0x0  }
0x4: {  	s4 =	sand.u32 $0x1, s1;
	s6 =	sshll.u32 s12, $0x1;
	s1 =	rddreg [dreg:$0x3]  }
0x5: {  	[smem:$0x7FF] =	sst s3;
	s10 =	smul.u32 $0x2780, s12;
	p0 =	sne.s32 s12, $0x0  }
0x6: {  	s12 =	sshll.u32 s12, $0x6;
	s6 =	sor.u32 s4, s6;
	_ =	strace $0x80000047  }
0x7: {  	s7 =	smul.u32 $0x4F00, s4;
	s8 =	ssub.s32 $0x2, s4;
	s4 =	sadd.s32 $0xB400, s5  }
0x8: {  	s12 =	sor.u32 $0x1C01, s12;
	s6 =	smul.u32 $0x4F0, s6;
	s9 =	sshrl.u32 s8, $0x1  }
0x9: {  	s13 =	sshrl.u32 s10, $0x3;
	s14 =	sadd.s32 s10, s2;
	s10 =	simm.s32 $0x80  }
0xa: {  	s7 =	sadd.s32 s7, s5;
	s8 =	ssub.s32 s8, s9;
	s9 =	simm.s32 $0x1  }
0xb: {  	s6 =	sadd.s32 s6, s5;
	s11 =	sadd.s32 $0x10400, s7;
	s7 =	sshrl.u32 @!p0 s2, $0x3  }
0xc: {  	s5 =	sadd.s32 $0x1600, s6;
	s6 =	smax.u32 s8, $0x1;
	s8 =	simm.s32 $0x2780  }
0xd: {  	s11 =	sadd.s32 s13, s11;
	s13 =	sshrl.u32 s14, $0x3;
	s14 =	simm.s32 $0x0  }
.LBB2_1:
0xe: {  	s15 =	simm.s32 @!p0 $0x1C01  }
0xf: {  	[spmem:s7], [sflag:s15] =	dma.local @!p0 [hbm:s4], $0x4F00  }
0x10: {  	s15 =	simm.s32 @!p0 $0x1  }
0x11: {  	_ =	swait.ge @!p0 [sflag:s15], $0x4F00  }
0x12: {  	[sflag:s15] =	ssyncset.done @!p0 $0x0  }
0x13: {  	[sflag:s15] =	ssyncadd.s32 @!p0 $0xFFFFB100  }
0x14: {  	[tilespmem:s8], [sflag:$0x1] =	stream.linear.gather [hbm4b:s0+s3], $0x800, $0x38;
	[tilespmem:$0x5700] =	vst v63  }
0x15: {  	_ =	swait.ge [sflag:s9], $0x800  }
0x16: {  	[sflag:s9] =	ssyncset.done $0x0  }
0x17: {  	[sflag:s9] =	ssyncadd.s32 $0xFFFFF800  }
0x18: {  	[tilespmem:s3], [sflag:$0x1] =	stream.linear.gather [hbm4b:s5+s3], $0x2780, $0x38;
	[tilespmem:$0x5700] =	vst v63  }
0x19: {  	_ =	swait.ge [sflag:s9], $0x2780  }
0x1a: {  	[sflag:s9] =	ssyncset.done $0x0  }
0x1b: {  	[sflag:s9] =	ssyncadd.s32 $0xFFFFD880  }
0x1c: {  	s31 =	simm.s32 $0x0;
	[bflag:$0x0] =	sbarrier.arrive $0xFFFF  }
0x1d: {  	[spmem:s2] =	stream.indirect.scatter.add.f32 [tilespmem:s8], [sflag:$0x1], $0x10, s31, s10, $0xb8;
	[tilespmem:$0x5700] =	vst v63  }
0x1e: {  	_ =	swait.ge [sflag:s9], $0x800  }
0x1f: {  	s15 =	simm.s32 $0x200;
	[sflag:s9] =	ssyncset.done $0x0  }
.LBB2_2:
0x20: {  	s16 =	sshra.s32 s15, $0x2;
	[sflag:s9] =	ssyncadd.s32 $0xFFFFF800;
	p1 =	sne.s32 s15, $0x9C00  }
0x21: {  	[spmem:s2] =	stream.indirect.scatter.add.f32 [tilespmem:s8], [sflag:$0x1], $0x10, s16, s10, $0xb8;
	[tilespmem:$0x5700] =	vst v63  }
.Ltmp0:
0x22: {  	_ = 	snop;
	(pc) =	sbr.rel @p1 .LBB2_2-.Ltmp0, $4  }
0x23: {  	_ = 	snop  }
0x24: {  	s15 =	sadd.s32 $0x200, s15  }
0x25: {  	_ =	swait.ge [sflag:s9], $0x800  }
0x26: {  	[sflag:s9] =	ssyncset.done $0x0  }
0x27: {  	s14 =	sadd.s32 $0x1, s14  }
0x28: {  	[sflag:s9] =	ssyncadd.s32 $0xFFFFF800;
	p1 =	sne.s32 s14, s6  }
.Ltmp1:
0x29: {  	[bflag:$0x0] =	sbarrier.arrive $0xFFFF;
	(pc) =	sbr.rel @p1 .LBB2_1-.Ltmp1, $4  }
0x2a: {  	[hbm:s11], [sflag:s12] =	dma.local [spmem:s13], $0x4F0  }
0x2b: {  	_ =	swait.ge [sflag:s9], $0x4F0  }
0x2c: {  	[sflag:s9] =	ssyncset.done $0x0  }
0x2d: {  	[sflag:s9] =	ssyncadd.s32 $0xFFFFFB10  }
0x2e: {  	_ =	sfence.sel $0x180000  }
0x2f: {  	[bflag:$0x0] =	sbarrier.arrive $0xFFFF  }
0x30: {  	_ =	strace $0x90000047  }
0x31: {  	s0 =	sadd.s32 @!p0 $0x100000, s1;
	[bflag:$0x2] =	sbarrier.arrive $0xFFFF  }
0x32: {  	[sflag:s0] =	ssyncadd.tile.s32 @!p0 $0x1;
	_ =	shalt  }
.Lfunc_end2:
_tile_overlayer_lowered:
.L_overlay_start_2:
0x33: {  	(tag) =	ssettag $0x2  }
0x34: {  	s0 =	rddreg [dreg:$0x0];
	s2 =	stileid.u32  }
0x35: {  	s1 =	rddreg [dreg:$0x1];
	p0 =	sne.s32 s2, $0x0  }
0x36: {  	s3 =	rddreg [dreg:$0x2];
	[bflag:$0x3] =	sbarrier.arrive $0xFFFF;
	s2 =	simm.s32 @!p0 $0x1C01  }
0x37: {  	[timem:s3], [sflag:s2] =	dma.local @!p0 [hbm:s0], s1  }
0x38: {  	s0 =	simm.s32 @!p0 $0x1  }
0x39: {  	_ =	swait.ge @!p0 [sflag:s0], s1  }
0x3a: {  	s1 =	ssub.s32 @!p0 $0x0, s1;
	[sflag:s0] =	ssyncset.done @!p0 $0x0  }
0x3b: {  	[sflag:s0] =	ssyncadd.s32 @!p0 s1  }
0x3c: {  	[bflag:$0x3] =	sbarrier.arrive $0xFFFF  }
0x3d: {  	_ =	shalt  }

</sc_bundles>
